<compile_context>
chip_gen: v7x
topology: tpu7x:2x2x1
jax: 0.10.2.dev20260603
libtpu: 0.0.44.dev20260713+nightly
codegen_flags: <defaults>
</compile_context>

<pallas_src>
import functools

import jax
import jax.numpy as jnp
from jax import lax
from jax.experimental import pallas as pl
from jax.experimental.pallas import tpu as pltpu
from jax.experimental.pallas import tpu_sc as plsc

NC = 2
NS = 16
NW = NC * NS
L = 16


def _sc_segment_matvec(n_cats_pad, n_pix, feat, e_total, chunk):
    per_w = e_total // NW
    n_chunks = per_w // chunk
    rows_per_tile = n_cats_pad // NS
    assert n_cats_pad % (NS * 8) == 0 and per_w % chunk == 0
    assert rows_per_tile % chunk == 0 and chunk % L == 0

    mesh = plsc.VectorSubcoreMesh(core_axis_name="c", subcore_axis_name="s")

    @functools.partial(
        pl.kernel,
        out_type=jax.ShapeDtypeStruct((NC, n_cats_pad, feat), jnp.float32),
        mesh=mesh,
        scratch_types=[
            pltpu.VMEM_SHARED((n_pix,), jnp.int32),
            pltpu.VMEM_SHARED((n_cats_pad, feat), jnp.float32),
            pltpu.VMEM((6, 1, chunk), jnp.int32),
            pltpu.VMEM((4, chunk), jnp.int32),
            pltpu.VMEM((4, chunk), jnp.float32),
            pltpu.VMEM((3, chunk), jnp.int32),
            pltpu.VMEM((3, chunk, feat), jnp.float32),
            pltpu.SemaphoreType.DMA((4,)),
            pltpu.SemaphoreType.DMA((4,)),
            pltpu.SemaphoreType.DMA((6,)),
            pltpu.SemaphoreType.DMA((3,)),
            pltpu.SemaphoreType.DMA((3,)),
            pltpu.SemaphoreType.DMA((2,)),
        ],
        compiler_params=pltpu.CompilerParams(needs_layout_passes=False),
    )
    def sc_kernel(runoff_hbm, pix_hbm, src_hbm, dest_hbm, w_hbm, out_hbm,
                  pix_tab, acc, dvb, srcb, wb, gv, rows,
                  sem_s, sem_w, sem_d, sem_g, sem_r, sem_a):
        cid = lax.axis_index("c")
        sid = lax.axis_index("s")
        wid = sid * NC + cid

        def _zero_body(e, _):
            for f in range(feat // L):
                rows[0, e, pl.ds(f * L, L)] = jnp.zeros((L,), jnp.float32)
            return 0
        lax.fori_loop(0, chunk, _zero_body, 0)
        for k in range(rows_per_tile // chunk):
            pltpu.sync_copy(rows.at[0],
                            acc.at[pl.ds(sid * rows_per_tile + k * chunk,
                                         chunk)])

        @pl.when(sid == 0)
        def _():
            pltpu.sync_copy(pix_hbm, pix_tab)
        plsc.subcore_barrier()

        def _issue_swd(j):
            base = wid * per_w + j * chunk
            s = j % 4
            pltpu.async_copy(src_hbm.at[pl.ds(base, chunk)], srcb.at[s],
                             sem_s.at[s])
            pltpu.async_copy(w_hbm.at[pl.ds(base, chunk)], wb.at[s],
                             sem_w.at[s])
            pltpu.async_copy(dest_hbm.at[pl.ds(base, chunk)], dvb.at[j % 6, 0],
                             sem_d.at[j % 6])

        def _wait_swd(j):
            s = j % 4
            base = wid * per_w + j * chunk
            pltpu.make_async_copy(src_hbm.at[pl.ds(base, chunk)], srcb.at[s],
                                  sem_s.at[s]).wait()
            pltpu.make_async_copy(w_hbm.at[pl.ds(base, chunk)], wb.at[s],
                                  sem_w.at[s]).wait()
            pltpu.make_async_copy(dest_hbm.at[pl.ds(base, chunk)],
                                  dvb.at[j % 6, 0], sem_d.at[j % 6]).wait()

        def _issue_xlate(j):
            pltpu.async_copy(pix_tab.at[srcb.at[j % 4]], gv.at[j % 3],
                             sem_g.at[j % 3])

        def _wait_xlate(j):
            pltpu.make_async_copy(pix_tab.at[srcb.at[j % 4]], gv.at[j % 3],
                                  sem_g.at[j % 3]).wait()

        def _issue_rows(j):
            pltpu.async_copy(runoff_hbm.at[gv.at[j % 3]], rows.at[j % 3],
                             sem_r.at[j % 3])

        def _wait_rows(j):
            pltpu.make_async_copy(runoff_hbm.at[gv.at[j % 3]],
                                  rows.at[j % 3], sem_r.at[j % 3]).wait()

        def _issue_scatter(j):
            pltpu.async_copy(rows.at[j % 3], acc.at[dvb.at[j % 6, 0]],
                             sem_a.at[j % 2], add=True)

        def _wait_scatter(j):
            pltpu.make_async_copy(rows.at[j % 3], acc.at[dvb.at[j % 6, 0]],
                                  sem_a.at[j % 2]).wait()

        _issue_swd(0)
        _issue_swd(1)
        _issue_swd(2)
        _wait_swd(0)
        _issue_xlate(0)
        _wait_xlate(0)
        _issue_rows(0)
        _wait_swd(1)
        _issue_xlate(1)

        def _chunk_body(j, _):
            @pl.when(j + 3 < n_chunks)
            def _():
                _issue_swd(j + 3)

            @pl.when(j + 2 < n_chunks)
            def _():
                _wait_swd(j + 2)
                _issue_xlate(j + 2)

            @pl.when(j + 1 < n_chunks)
            def _():
                _wait_xlate(j + 1)

                @pl.when(j >= 2)
                def _():
                    _wait_scatter(j - 2)
                _issue_rows(j + 1)

            _wait_rows(j)
            p = j % 3
            def _scale(e, _):
                wbc = plsc.load_gather(
                    wb.at[j % 4], [jnp.full((L,), e, jnp.int32)])
                for f in range(feat // L):
                    sl = pl.ds(f * L, L)
                    rows[p, e, sl] = rows[p, e, sl] * wbc
                return 0
            lax.fori_loop(0, chunk, _scale, 0)
            _issue_scatter(j)
            return 0

        lax.fori_loop(0, n_chunks, _chunk_body, 0)
        _wait_scatter(n_chunks - 2)
        _wait_scatter(n_chunks - 1)
        plsc.subcore_barrier()

        for k in range(rows_per_tile // chunk):
            off = sid * rows_per_tile + k * chunk
            pltpu.sync_copy(acc.at[pl.ds(off, chunk)],
                            out_hbm.at[cid, pl.ds(off, chunk)])

    return sc_kernel


def _tc_add(a, b):
    n, f = a.shape
    blk = 1024

    def body(a_ref, b_ref, o_ref):
        o_ref[...] = a_ref[...] + b_ref[...]

    return pl.pallas_call(
        body,
        grid=(n // blk,),
        in_specs=[pl.BlockSpec((blk, f), lambda i: (i, 0))] * 2,
        out_specs=pl.BlockSpec((blk, f), lambda i: (i, 0)),
        out_shape=jax.ShapeDtypeStruct((n, f), jnp.float32),
    )(a, b)


def kernel(runoff, pix_idxs, src_idxs, dest_idxs, weights):
    n_pix = pix_idxs.shape[0]
    e_total = src_idxs.shape[0]
    n_cats = 10000
    n_cats_pad = 10240
    feat = runoff.shape[1]
    chunk = 80

    pix32 = pix_idxs.astype(jnp.int32)
    src32 = src_idxs.astype(jnp.int32)
    per_w = e_total // NW
    dest32 = dest_idxs.astype(jnp.int32)

    sc = _sc_segment_matvec(n_cats_pad, n_pix, feat, e_total, chunk)
    partials = sc(runoff, pix32, src32, dest32, weights)
    out = _tc_add(partials[0], partials[1])
    return out[:n_cats][None]

# --- scband reference (transcript-rebuilt; emitter-appended) ---
"""Pipeline reference for scband-ci-72773925864291 (READ-ONLY COPY).

The authoritative reference and input builder live on the scoring server;
editing this copy changes nothing except your own understanding.
"""

import jax, jax.numpy as jnp
import numpy as np

N_GLOBAL = 50000   # global runoff pixel grid rows
N_PIX = 50000      # local pixels selected by pix_idxs
E = 320000         # number of (pixel, catchment, weight) mapping entries
N_CATS = 10000     # number of catchments (output segments)
F = 128            # time steps / feature dim


def setup_inputs(seed: int = 0) -> dict:
    key = jax.random.key(seed)
    k0, k1, k2, k3, k4 = jax.random.split(key, 5)
    runoff = jax.random.normal(k0, (N_GLOBAL, F), dtype=jnp.float32)
    pix_idxs = jax.random.randint(k1, (N_PIX,), 0, N_GLOBAL, dtype=jnp.int64)
    src_idxs = jax.random.randint(k2, (E,), 0, N_PIX, dtype=jnp.int64)
    dest_idxs = jnp.sort(jax.random.randint(k3, (E,), 0, N_CATS, dtype=jnp.int64))
    weights = jax.random.uniform(k4, (E,), dtype=jnp.float32)
    return {
        "runoff": runoff,
        "pix_idxs": pix_idxs,
        "src_idxs": src_idxs,
        "dest_idxs": dest_idxs,
        "weights": weights,
    }


def reference(runoff, pix_idxs, src_idxs, dest_idxs, weights):
    # Faithful translation of CI.interpolate_runoff:
    #   local_runoff = runoff[self.pix_idxs]
    #   x = local_runoff[self.src_idxs]
    #   weighted_x = x * self.weights[:, None]
    #   out = zeros(n_cats, F); out.index_add_(0, self.dest_idxs, weighted_x)
    #   return out[None]
    local_runoff = jnp.take(runoff, pix_idxs, axis=0)
    x = jnp.take(local_runoff, src_idxs, axis=0)
    weighted_x = x * weights[:, None]
    out = jnp.zeros((N_CATS, x.shape[1]), dtype=x.dtype).at[dest_idxs].add(weighted_x)
    return out[None]

if __name__ == "__main__":
    import jax
    _d = setup_inputs()
    print(jax.jit(kernel)(*tuple(_d.values())))

</pallas_src>

<mosaic_0001>
#map = affine_map<(d0, d1) -> (0, 0)>
#map1 = affine_map<(d0, d1) -> (0)>
#map2 = affine_map<(d0, d1) -> (0, 0, 0)>
module attributes {stable_mosaic.version = 14 : i64} {
  func.func @sc_kernel(%arg0: i32, %arg1: i32, %arg2: memref<50000x128xf32, #tpu.memory_space<hbm>>, %arg3: memref<50000xi32, #tpu.memory_space<hbm>>, %arg4: memref<320000xi32, #tpu.memory_space<hbm>>, %arg5: memref<320000xi32, #tpu.memory_space<hbm>>, %arg6: memref<320000xf32, #tpu.memory_space<hbm>>, %arg7: memref<2x10240x128xf32, #tpu.memory_space<hbm>>, %arg8: memref<50000xi32, #tpu.memory_space<vmem_shared>>, %arg9: memref<10240x128xf32, #tpu.memory_space<vmem_shared>>, %arg10: memref<6x1x80xi32, #tpu.memory_space<vmem>>, %arg11: memref<4x80xi32, #tpu.memory_space<vmem>>, %arg12: memref<4x80xf32, #tpu.memory_space<vmem>>, %arg13: memref<3x80xi32, #tpu.memory_space<vmem>>, %arg14: memref<3x80x128xf32, #tpu.memory_space<vmem>>, %arg15: memref<4x!tpu.dma_semaphore, #tpu.memory_space<semaphore_mem>>, %arg16: memref<4x!tpu.dma_semaphore, #tpu.memory_space<semaphore_mem>>, %arg17: memref<6x!tpu.dma_semaphore, #tpu.memory_space<semaphore_mem>>, %arg18: memref<3x!tpu.dma_semaphore, #tpu.memory_space<semaphore_mem>>, %arg19: memref<3x!tpu.dma_semaphore, #tpu.memory_space<semaphore_mem>>, %arg20: memref<2x!tpu.dma_semaphore, #tpu.memory_space<semaphore_mem>>) attributes {dimension_semantics = [#tpu.dimension_semantics<core_parallel>, #tpu.dimension_semantics<subcore_parallel>], iteration_bounds = array<i64: 2, 16>, scalar_prefetch = 0 : i64, scratch_operands = 13 : i64, tpu.core_type = #tpu.core_type<sc_vector_subcore>, window_params = [{transform_indices = #map}, {transform_indices = #map1}, {transform_indices = #map1}, {transform_indices = #map1}, {transform_indices = #map1}, {transform_indices = #map2}]} {
    %mul3A = arith.constant 2 : i32
    %mul3A_0 = arith.muli %arg1, %mul3A : i32
    %add3A = arith.addi %mul3A_0, %arg0 : i32
    %scan3A = arith.constant 0 : i32
    %scan3A_1 = arith.constant 0 : i32
    %scan3A_2 = arith.constant 80 : i32
    %scan3A_3 = arith.addi %scan3A_1, %scan3A_2 : i32
    %scan3A_4 = arith.constant 1 : i32
    %scan3A_5 = scf.for %scan3A_377 = %scan3A_1 to %scan3A_3 step %scan3A_4 iter_args(%scan3A_378 = %scan3A) -> (i32)  : i32 {
      %broadcast_in_dim3A = arith.constant 0.000000e+00 : f32
      %broadcast_in_dim3A_379 = vector.broadcast %broadcast_in_dim3A : f32 to vector<16xf32>
      %swap3A = arith.constant 0 : i32
      %swap3A_380 = arith.index_cast %swap3A : i32 to index
      %swap3A_381 = arith.index_cast %scan3A_377 : i32 to index
      %swap3A_382 = arith.constant 0 : index
      %swap3A_383 = tpu.vector_load %arg14[%swap3A_380, %swap3A_381, %swap3A_382] {strides = array<i32>} : memref<3x80x128xf32, #tpu.memory_space<vmem>>, vector<16xf32>,
      tpu.vector_store %arg14[%swap3A_380, %swap3A_381, %swap3A_382], %broadcast_in_dim3A_379 {strides = array<i32>} : memref<3x80x128xf32, #tpu.memory_space<vmem>>, vector<16xf32>,
      %broadcast_in_dim3A_384 = arith.constant 0.000000e+00 : f32
      %broadcast_in_dim3A_385 = vector.broadcast %broadcast_in_dim3A_384 : f32 to vector<16xf32>
      %swap3A_386 = arith.constant 0 : i32
      %swap3A_387 = arith.index_cast %swap3A_386 : i32 to index
      %swap3A_388 = arith.index_cast %scan3A_377 : i32 to index
      %swap3A_389 = arith.constant 16 : index
      %swap3A_390 = tpu.vector_load %arg14[%swap3A_387, %swap3A_388, %swap3A_389] {strides = array<i32>} : memref<3x80x128xf32, #tpu.memory_space<vmem>>, vector<16xf32>,
      tpu.vector_store %arg14[%swap3A_387, %swap3A_388, %swap3A_389], %broadcast_in_dim3A_385 {strides = array<i32>} : memref<3x80x128xf32, #tpu.memory_space<vmem>>, vector<16xf32>,
      %broadcast_in_dim3A_391 = arith.constant 0.000000e+00 : f32
      %broadcast_in_dim3A_392 = vector.broadcast %broadcast_in_dim3A_391 : f32 to vector<16xf32>
      %swap3A_393 = arith.constant 0 : i32
      %swap3A_394 = arith.index_cast %swap3A_393 : i32 to index
      %swap3A_395 = arith.index_cast %scan3A_377 : i32 to index
      %swap3A_396 = arith.constant 32 : index
      %swap3A_397 = tpu.vector_load %arg14[%swap3A_394, %swap3A_395, %swap3A_396] {strides = array<i32>} : memref<3x80x128xf32, #tpu.memory_space<vmem>>, vector<16xf32>,
      tpu.vector_store %arg14[%swap3A_394, %swap3A_395, %swap3A_396], %broadcast_in_dim3A_392 {strides = array<i32>} : memref<3x80x128xf32, #tpu.memory_space<vmem>>, vector<16xf32>,
      %broadcast_in_dim3A_398 = arith.constant 0.000000e+00 : f32
      %broadcast_in_dim3A_399 = vector.broadcast %broadcast_in_dim3A_398 : f32 to vector<16xf32>
      %swap3A_400 = arith.constant 0 : i32
      %swap3A_401 = arith.index_cast %swap3A_400 : i32 to index
      %swap3A_402 = arith.index_cast %scan3A_377 : i32 to index
      %swap3A_403 = arith.constant 48 : index
      %swap3A_404 = tpu.vector_load %arg14[%swap3A_401, %swap3A_402, %swap3A_403] {strides = array<i32>} : memref<3x80x128xf32, #tpu.memory_space<vmem>>, vector<16xf32>,
      tpu.vector_store %arg14[%swap3A_401, %swap3A_402, %swap3A_403], %broadcast_in_dim3A_399 {strides = array<i32>} : memref<3x80x128xf32, #tpu.memory_space<vmem>>, vector<16xf32>,
      %broadcast_in_dim3A_405 = arith.constant 0.000000e+00 : f32
      %broadcast_in_dim3A_406 = vector.broadcast %broadcast_in_dim3A_405 : f32 to vector<16xf32>
      %swap3A_407 = arith.constant 0 : i32
      %swap3A_408 = arith.index_cast %swap3A_407 : i32 to index
      %swap3A_409 = arith.index_cast %scan3A_377 : i32 to index
      %swap3A_410 = arith.constant 64 : index
      %swap3A_411 = tpu.vector_load %arg14[%swap3A_408, %swap3A_409, %swap3A_410] {strides = array<i32>} : memref<3x80x128xf32, #tpu.memory_space<vmem>>, vector<16xf32>,
      tpu.vector_store %arg14[%swap3A_408, %swap3A_409, %swap3A_410], %broadcast_in_dim3A_406 {strides = array<i32>} : memref<3x80x128xf32, #tpu.memory_space<vmem>>, vector<16xf32>,
      %broadcast_in_dim3A_412 = arith.constant 0.000000e+00 : f32
      %broadcast_in_dim3A_413 = vector.broadcast %broadcast_in_dim3A_412 : f32 to vector<16xf32>
      %swap3A_414 = arith.constant 0 : i32
      %swap3A_415 = arith.index_cast %swap3A_414 : i32 to index
      %swap3A_416 = arith.index_cast %scan3A_377 : i32 to index
      %swap3A_417 = arith.constant 80 : index
      %swap3A_418 = tpu.vector_load %arg14[%swap3A_415, %swap3A_416, %swap3A_417] {strides = array<i32>} : memref<3x80x128xf32, #tpu.memory_space<vmem>>, vector<16xf32>,
      tpu.vector_store %arg14[%swap3A_415, %swap3A_416, %swap3A_417], %broadcast_in_dim3A_413 {strides = array<i32>} : memref<3x80x128xf32, #tpu.memory_space<vmem>>, vector<16xf32>,
      %broadcast_in_dim3A_419 = arith.constant 0.000000e+00 : f32
      %broadcast_in_dim3A_420 = vector.broadcast %broadcast_in_dim3A_419 : f32 to vector<16xf32>
      %swap3A_421 = arith.constant 0 : i32
      %swap3A_422 = arith.index_cast %swap3A_421 : i32 to index
      %swap3A_423 = arith.index_cast %scan3A_377 : i32 to index
      %swap3A_424 = arith.constant 96 : index
      %swap3A_425 = tpu.vector_load %arg14[%swap3A_422, %swap3A_423, %swap3A_424] {strides = array<i32>} : memref<3x80x128xf32, #tpu.memory_space<vmem>>, vector<16xf32>,
      tpu.vector_store %arg14[%swap3A_422, %swap3A_423, %swap3A_424], %broadcast_in_dim3A_420 {strides = array<i32>} : memref<3x80x128xf32, #tpu.memory_space<vmem>>, vector<16xf32>,
      %broadcast_in_dim3A_426 = arith.constant 0.000000e+00 : f32
      %broadcast_in_dim3A_427 = vector.broadcast %broadcast_in_dim3A_426 : f32 to vector<16xf32>
      %swap3A_428 = arith.constant 0 : i32
      %swap3A_429 = arith.index_cast %swap3A_428 : i32 to index
      %swap3A_430 = arith.index_cast %scan3A_377 : i32 to index
      %swap3A_431 = arith.constant 112 : index
      %swap3A_432 = tpu.vector_load %arg14[%swap3A_429, %swap3A_430, %swap3A_431] {strides = array<i32>} : memref<3x80x128xf32, #tpu.memory_space<vmem>>, vector<16xf32>,
      tpu.vector_store %arg14[%swap3A_429, %swap3A_430, %swap3A_431], %broadcast_in_dim3A_427 {strides = array<i32>} : memref<3x80x128xf32, #tpu.memory_space<vmem>>, vector<16xf32>,
      %scan3A_433 = arith.constant 0 : i32
      scf.yield %scan3A_433 : i32
    }
    %scan3A_6 = arith.constant 80 : i32
    %mul3A_7 = arith.constant 640 : i32
    %mul3A_8 = arith.muli %arg1, %mul3A_7 : i32
    %add3A_9 = arith.constant 0 : i32
    %add3A_10 = arith.addi %mul3A_8, %add3A_9 : i32
    %run_scoped3A = arith.constant 0 : i32
    "tpu.region"() ({
      %run_scoped3A_377 = tpu.sem_alloc : memref<!tpu.dma_semaphore, #tpu.memory_space<semaphore_mem>>
      %dma_start3A_378 = arith.constant 0 : i32
      %dma_start3A_379 = arith.constant 0 : i32
      %dma_start3A_380 = tpu.memref_slice %arg14[%run_scoped3A, %dma_start3A_378, %dma_start3A_379] : memref<3x80x128xf32, #tpu.memory_space<vmem>> -> memref<1x80x128xf32, #tpu.memory_space<vmem>>
      %dma_start3A_381 = tpu.memref_squeeze %dma_start3A_380 : memref<1x80x128xf32, #tpu.memory_space<vmem>> -> memref<80x128xf32, #tpu.memory_space<vmem>>
      %dma_start3A_382 = arith.constant 0 : i32
      %dma_start3A_383 = tpu.memref_slice %arg9[%add3A_10, %dma_start3A_382] : memref<10240x128xf32, #tpu.memory_space<vmem_shared>> -> memref<80x128xf32, #tpu.memory_space<vmem_shared>>
      %dma_start3A_384 = arith.constant 0 : i32
      %dma_start3A_385 = tpu.memref_slice %arg9[%add3A_10, %dma_start3A_384] : memref<10240x128xf32, #tpu.memory_space<vmem_shared>> -> memref<80x128xf32, #tpu.memory_space<vmem_shared>>
      %dma_start3A_386 = arith.constant 0 : i32
      %dma_start3A_387 = arith.constant 0 : i32
      %dma_start3A_388 = tpu.memref_slice %arg14[%run_scoped3A, %dma_start3A_386, %dma_start3A_387] : memref<3x80x128xf32, #tpu.memory_space<vmem>> -> memref<1x80x128xf32, #tpu.memory_space<vmem>>
      %dma_start3A_389 = tpu.memref_squeeze %dma_start3A_388 : memref<1x80x128xf32, #tpu.memory_space<vmem>> -> memref<80x128xf32, #tpu.memory_space<vmem>>
      tpu.enqueue_dma source(%dma_start3A_389 : memref<80x128xf32, #tpu.memory_space<vmem>>) target(%dma_start3A_385 : memref<80x128xf32, #tpu.memory_space<vmem_shared>>) target_semaphore(%run_scoped3A_377 : memref<!tpu.dma_semaphore, #tpu.memory_space<semaphore_mem>>)
      %dma_wait3A_390 = arith.constant 0 : i32
      %dma_wait3A_391 = arith.constant 0 : i32
      %dma_wait3A_392 = tpu.memref_slice %arg14[%run_scoped3A, %dma_wait3A_390, %dma_wait3A_391] : memref<3x80x128xf32, #tpu.memory_space<vmem>> -> memref<1x80x128xf32, #tpu.memory_space<vmem>>
      %dma_wait3A_393 = tpu.memref_squeeze %dma_wait3A_392 : memref<1x80x128xf32, #tpu.memory_space<vmem>> -> memref<80x128xf32, #tpu.memory_space<vmem>>
      %dma_wait3A_394 = arith.constant 0 : i32
      %dma_wait3A_395 = tpu.memref_slice %arg9[%add3A_10, %dma_wait3A_394] : memref<10240x128xf32, #tpu.memory_space<vmem_shared>> -> memref<80x128xf32, #tpu.memory_space<vmem_shared>>
      %dma_wait3A_396 = arith.constant 0 : i32
      %dma_wait3A_397 = tpu.memref_slice %arg9[%add3A_10, %dma_wait3A_396] : memref<10240x128xf32, #tpu.memory_space<vmem_shared>> -> memref<80x128xf32, #tpu.memory_space<vmem_shared>>
      %dma_wait3A_398 = arith.constant 0 : i32
      %dma_wait3A_399 = arith.constant 0 : i32
      %dma_wait3A_400 = tpu.memref_slice %arg14[%run_scoped3A, %dma_wait3A_398, %dma_wait3A_399] : memref<3x80x128xf32, #tpu.memory_space<vmem>> -> memref<1x80x128xf32, #tpu.memory_space<vmem>>
      %dma_wait3A_401 = tpu.memref_squeeze %dma_wait3A_400 : memref<1x80x128xf32, #tpu.memory_space<vmem>> -> memref<80x128xf32, #tpu.memory_space<vmem>>
      tpu.wait_dma2 semaphore(%run_scoped3A_377 : memref<!tpu.dma_semaphore, #tpu.memory_space<semaphore_mem>>) src(%dma_wait3A_401 : memref<80x128xf32, #tpu.memory_space<vmem>>) dst(%dma_wait3A_397 : memref<80x128xf32, #tpu.memory_space<vmem_shared>>)
      tpu.yield
    }) : () -> ()
    %mul3A_11 = arith.constant 640 : i32
    %mul3A_12 = arith.muli %arg1, %mul3A_11 : i32
    %add3A_13 = arith.constant 80 : i32
    %add3A_14 = arith.addi %mul3A_12, %add3A_13 : i32
    %run_scoped3A_15 = arith.constant 0 : i32
    "tpu.region"() ({
      %run_scoped3A_377 = tpu.sem_alloc : memref<!tpu.dma_semaphore, #tpu.memory_space<semaphore_mem>>
      %dma_start3A_378 = arith.constant 0 : i32
      %dma_start3A_379 = arith.constant 0 : i32
      %dma_start3A_380 = tpu.memref_slice %arg14[%run_scoped3A_15, %dma_start3A_378, %dma_start3A_379] : memref<3x80x128xf32, #tpu.memory_space<vmem>> -> memref<1x80x128xf32, #tpu.memory_space<vmem>>
      %dma_start3A_381 = tpu.memref_squeeze %dma_start3A_380 : memref<1x80x128xf32, #tpu.memory_space<vmem>> -> memref<80x128xf32, #tpu.memory_space<vmem>>
      %dma_start3A_382 = arith.constant 0 : i32
      %dma_start3A_383 = tpu.memref_slice %arg9[%add3A_14, %dma_start3A_382] : memref<10240x128xf32, #tpu.memory_space<vmem_shared>> -> memref<80x128xf32, #tpu.memory_space<vmem_shared>>
      %dma_start3A_384 = arith.constant 0 : i32
      %dma_start3A_385 = tpu.memref_slice %arg9[%add3A_14, %dma_start3A_384] : memref<10240x128xf32, #tpu.memory_space<vmem_shared>> -> memref<80x128xf32, #tpu.memory_space<vmem_shared>>
      %dma_start3A_386 = arith.constant 0 : i32
      %dma_start3A_387 = arith.constant 0 : i32
      %dma_start3A_388 = tpu.memref_slice %arg14[%run_scoped3A_15, %dma_start3A_386, %dma_start3A_387] : memref<3x80x128xf32, #tpu.memory_space<vmem>> -> memref<1x80x128xf32, #tpu.memory_space<vmem>>
      %dma_start3A_389 = tpu.memref_squeeze %dma_start3A_388 : memref<1x80x128xf32, #tpu.memory_space<vmem>> -> memref<80x128xf32, #tpu.memory_space<vmem>>
      tpu.enqueue_dma source(%dma_start3A_389 : memref<80x128xf32, #tpu.memory_space<vmem>>) target(%dma_start3A_385 : memref<80x128xf32, #tpu.memory_space<vmem_shared>>) target_semaphore(%run_scoped3A_377 : memref<!tpu.dma_semaphore, #tpu.memory_space<semaphore_mem>>)
      %dma_wait3A_390 = arith.constant 0 : i32
      %dma_wait3A_391 = arith.constant 0 : i32
      %dma_wait3A_392 = tpu.memref_slice %arg14[%run_scoped3A_15, %dma_wait3A_390, %dma_wait3A_391] : memref<3x80x128xf32, #tpu.memory_space<vmem>> -> memref<1x80x128xf32, #tpu.memory_space<vmem>>
      %dma_wait3A_393 = tpu.memref_squeeze %dma_wait3A_392 : memref<1x80x128xf32, #tpu.memory_space<vmem>> -> memref<80x128xf32, #tpu.memory_space<vmem>>
      %dma_wait3A_394 = arith.constant 0 : i32
      %dma_wait3A_395 = tpu.memref_slice %arg9[%add3A_14, %dma_wait3A_394] : memref<10240x128xf32, #tpu.memory_space<vmem_shared>> -> memref<80x128xf32, #tpu.memory_space<vmem_shared>>
      %dma_wait3A_396 = arith.constant 0 : i32
      %dma_wait3A_397 = tpu.memref_slice %arg9[%add3A_14, %dma_wait3A_396] : memref<10240x128xf32, #tpu.memory_space<vmem_shared>> -> memref<80x128xf32, #tpu.memory_space<vmem_shared>>
      %dma_wait3A_398 = arith.constant 0 : i32
      %dma_wait3A_399 = arith.constant 0 : i32
      %dma_wait3A_400 = tpu.memref_slice %arg14[%run_scoped3A_15, %dma_wait3A_398, %dma_wait3A_399] : memref<3x80x128xf32, #tpu.memory_space<vmem>> -> memref<1x80x128xf32, #tpu.memory_space<vmem>>
      %dma_wait3A_401 = tpu.memref_squeeze %dma_wait3A_400 : memref<1x80x128xf32, #tpu.memory_space<vmem>> -> memref<80x128xf32, #tpu.memory_space<vmem>>
      tpu.wait_dma2 semaphore(%run_scoped3A_377 : memref<!tpu.dma_semaphore, #tpu.memory_space<semaphore_mem>>) src(%dma_wait3A_401 : memref<80x128xf32, #tpu.memory_space<vmem>>) dst(%dma_wait3A_397 : memref<80x128xf32, #tpu.memory_space<vmem_shared>>)
      tpu.yield
    }) : () -> ()
    %mul3A_16 = arith.constant 640 : i32
    %mul3A_17 = arith.muli %arg1, %mul3A_16 : i32
    %add3A_18 = arith.constant 160 : i32
    %add3A_19 = arith.addi %mul3A_17, %add3A_18 : i32
    %run_scoped3A_20 = arith.constant 0 : i32
    "tpu.region"() ({
      %run_scoped3A_377 = tpu.sem_alloc : memref<!tpu.dma_semaphore, #tpu.memory_space<semaphore_mem>>
      %dma_start3A_378 = arith.constant 0 : i32
      %dma_start3A_379 = arith.constant 0 : i32
      %dma_start3A_380 = tpu.memref_slice %arg14[%run_scoped3A_20, %dma_start3A_378, %dma_start3A_379] : memref<3x80x128xf32, #tpu.memory_space<vmem>> -> memref<1x80x128xf32, #tpu.memory_space<vmem>>
      %dma_start3A_381 = tpu.memref_squeeze %dma_start3A_380 : memref<1x80x128xf32, #tpu.memory_space<vmem>> -> memref<80x128xf32, #tpu.memory_space<vmem>>
      %dma_start3A_382 = arith.constant 0 : i32
      %dma_start3A_383 = tpu.memref_slice %arg9[%add3A_19, %dma_start3A_382] : memref<10240x128xf32, #tpu.memory_space<vmem_shared>> -> memref<80x128xf32, #tpu.memory_space<vmem_shared>>
      %dma_start3A_384 = arith.constant 0 : i32
      %dma_start3A_385 = tpu.memref_slice %arg9[%add3A_19, %dma_start3A_384] : memref<10240x128xf32, #tpu.memory_space<vmem_shared>> -> memref<80x128xf32, #tpu.memory_space<vmem_shared>>
      %dma_start3A_386 = arith.constant 0 : i32
      %dma_start3A_387 = arith.constant 0 : i32
      %dma_start3A_388 = tpu.memref_slice %arg14[%run_scoped3A_20, %dma_start3A_386, %dma_start3A_387] : memref<3x80x128xf32, #tpu.memory_space<vmem>> -> memref<1x80x128xf32, #tpu.memory_space<vmem>>
      %dma_start3A_389 = tpu.memref_squeeze %dma_start3A_388 : memref<1x80x128xf32, #tpu.memory_space<vmem>> -> memref<80x128xf32, #tpu.memory_space<vmem>>
      tpu.enqueue_dma source(%dma_start3A_389 : memref<80x128xf32, #tpu.memory_space<vmem>>) target(%dma_start3A_385 : memref<80x128xf32, #tpu.memory_space<vmem_shared>>) target_semaphore(%run_scoped3A_377 : memref<!tpu.dma_semaphore, #tpu.memory_space<semaphore_mem>>)
      %dma_wait3A_390 = arith.constant 0 : i32
      %dma_wait3A_391 = arith.constant 0 : i32
      %dma_wait3A_392 = tpu.memref_slice %arg14[%run_scoped3A_20, %dma_wait3A_390, %dma_wait3A_391] : memref<3x80x128xf32, #tpu.memory_space<vmem>> -> memref<1x80x128xf32, #tpu.memory_space<vmem>>
      %dma_wait3A_393 = tpu.memref_squeeze %dma_wait3A_392 : memref<1x80x128xf32, #tpu.memory_space<vmem>> -> memref<80x128xf32, #tpu.memory_space<vmem>>
      %dma_wait3A_394 = arith.constant 0 : i32
      %dma_wait3A_395 = tpu.memref_slice %arg9[%add3A_19, %dma_wait3A_394] : memref<10240x128xf32, #tpu.memory_space<vmem_shared>> -> memref<80x128xf32, #tpu.memory_space<vmem_shared>>
      %dma_wait3A_396 = arith.constant 0 : i32
      %dma_wait3A_397 = tpu.memref_slice %arg9[%add3A_19, %dma_wait3A_396] : memref<10240x128xf32, #tpu.memory_space<vmem_shared>> -> memref<80x128xf32, #tpu.memory_space<vmem_shared>>
      %dma_wait3A_398 = arith.constant 0 : i32
      %dma_wait3A_399 = arith.constant 0 : i32
      %dma_wait3A_400 = tpu.memref_slice %arg14[%run_scoped3A_20, %dma_wait3A_398, %dma_wait3A_399] : memref<3x80x128xf32, #tpu.memory_space<vmem>> -> memref<1x80x128xf32, #tpu.memory_space<vmem>>
      %dma_wait3A_401 = tpu.memref_squeeze %dma_wait3A_400 : memref<1x80x128xf32, #tpu.memory_space<vmem>> -> memref<80x128xf32, #tpu.memory_space<vmem>>
      tpu.wait_dma2 semaphore(%run_scoped3A_377 : memref<!tpu.dma_semaphore, #tpu.memory_space<semaphore_mem>>) src(%dma_wait3A_401 : memref<80x128xf32, #tpu.memory_space<vmem>>) dst(%dma_wait3A_397 : memref<80x128xf32, #tpu.memory_space<vmem_shared>>)
      tpu.yield
    }) : () -> ()
    %mul3A_21 = arith.constant 640 : i32
    %mul3A_22 = arith.muli %arg1, %mul3A_21 : i32
    %add3A_23 = arith.constant 240 : i32
    %add3A_24 = arith.addi %mul3A_22, %add3A_23 : i32
    %run_scoped3A_25 = arith.constant 0 : i32
    "tpu.region"() ({
      %run_scoped3A_377 = tpu.sem_alloc : memref<!tpu.dma_semaphore, #tpu.memory_space<semaphore_mem>>
      %dma_start3A_378 = arith.constant 0 : i32
      %dma_start3A_379 = arith.constant 0 : i32
      %dma_start3A_380 = tpu.memref_slice %arg14[%run_scoped3A_25, %dma_start3A_378, %dma_start3A_379] : memref<3x80x128xf32, #tpu.memory_space<vmem>> -> memref<1x80x128xf32, #tpu.memory_space<vmem>>
      %dma_start3A_381 = tpu.memref_squeeze %dma_start3A_380 : memref<1x80x128xf32, #tpu.memory_space<vmem>> -> memref<80x128xf32, #tpu.memory_space<vmem>>
      %dma_start3A_382 = arith.constant 0 : i32
      %dma_start3A_383 = tpu.memref_slice %arg9[%add3A_24, %dma_start3A_382] : memref<10240x128xf32, #tpu.memory_space<vmem_shared>> -> memref<80x128xf32, #tpu.memory_space<vmem_shared>>
      %dma_start3A_384 = arith.constant 0 : i32
      %dma_start3A_385 = tpu.memref_slice %arg9[%add3A_24, %dma_start3A_384] : memref<10240x128xf32, #tpu.memory_space<vmem_shared>> -> memref<80x128xf32, #tpu.memory_space<vmem_shared>>
      %dma_start3A_386 = arith.constant 0 : i32
      %dma_start3A_387 = arith.constant 0 : i32
      %dma_start3A_388 = tpu.memref_slice %arg14[%run_scoped3A_25, %dma_start3A_386, %dma_start3A_387] : memref<3x80x128xf32, #tpu.memory_space<vmem>> -> memref<1x80x128xf32, #tpu.memory_space<vmem>>
      %dma_start3A_389 = tpu.memref_squeeze %dma_start3A_388 : memref<1x80x128xf32, #tpu.memory_space<vmem>> -> memref<80x128xf32, #tpu.memory_space<vmem>>
      tpu.enqueue_dma source(%dma_start3A_389 : memref<80x128xf32, #tpu.memory_space<vmem>>) target(%dma_start3A_385 : memref<80x128xf32, #tpu.memory_space<vmem_shared>>) target_semaphore(%run_scoped3A_377 : memref<!tpu.dma_semaphore, #tpu.memory_space<semaphore_mem>>)
      %dma_wait3A_390 = arith.constant 0 : i32
      %dma_wait3A_391 = arith.constant 0 : i32
      %dma_wait3A_392 = tpu.memref_slice %arg14[%run_scoped3A_25, %dma_wait3A_390, %dma_wait3A_391] : memref<3x80x128xf32, #tpu.memory_space<vmem>> -> memref<1x80x128xf32, #tpu.memory_space<vmem>>
      %dma_wait3A_393 = tpu.memref_squeeze %dma_wait3A_392 : memref<1x80x128xf32, #tpu.memory_space<vmem>> -> memref<80x128xf32, #tpu.memory_space<vmem>>
      %dma_wait3A_394 = arith.constant 0 : i32
      %dma_wait3A_395 = tpu.memref_slice %arg9[%add3A_24, %dma_wait3A_394] : memref<10240x128xf32, #tpu.memory_space<vmem_shared>> -> memref<80x128xf32, #tpu.memory_space<vmem_shared>>
      %dma_wait3A_396 = arith.constant 0 : i32
      %dma_wait3A_397 = tpu.memref_slice %arg9[%add3A_24, %dma_wait3A_396] : memref<10240x128xf32, #tpu.memory_space<vmem_shared>> -> memref<80x128xf32, #tpu.memory_space<vmem_shared>>
      %dma_wait3A_398 = arith.constant 0 : i32
      %dma_wait3A_399 = arith.constant 0 : i32
      %dma_wait3A_400 = tpu.memref_slice %arg14[%run_scoped3A_25, %dma_wait3A_398, %dma_wait3A_399] : memref<3x80x128xf32, #tpu.memory_space<vmem>> -> memref<1x80x128xf32, #tpu.memory_space<vmem>>
      %dma_wait3A_401 = tpu.memref_squeeze %dma_wait3A_400 : memref<1x80x128xf32, #tpu.memory_space<vmem>> -> memref<80x128xf32, #tpu.memory_space<vmem>>
      tpu.wait_dma2 semaphore(%run_scoped3A_377 : memref<!tpu.dma_semaphore, #tpu.memory_space<semaphore_mem>>) src(%dma_wait3A_401 : memref<80x128xf32, #tpu.memory_space<vmem>>) dst(%dma_wait3A_397 : memref<80x128xf32, #tpu.memory_space<vmem_shared>>)
      tpu.yield
    }) : () -> ()
    %mul3A_26 = arith.constant 640 : i32
    %mul3A_27 = arith.muli %arg1, %mul3A_26 : i32
    %add3A_28 = arith.constant 320 : i32
    %add3A_29 = arith.addi %mul3A_27, %add3A_28 : i32
    %run_scoped3A_30 = arith.constant 0 : i32
    "tpu.region"() ({
      %run_scoped3A_377 = tpu.sem_alloc : memref<!tpu.dma_semaphore, #tpu.memory_space<semaphore_mem>>
      %dma_start3A_378 = arith.constant 0 : i32
      %dma_start3A_379 = arith.constant 0 : i32
      %dma_start3A_380 = tpu.memref_slice %arg14[%run_scoped3A_30, %dma_start3A_378, %dma_start3A_379] : memref<3x80x128xf32, #tpu.memory_space<vmem>> -> memref<1x80x128xf32, #tpu.memory_space<vmem>>
      %dma_start3A_381 = tpu.memref_squeeze %dma_start3A_380 : memref<1x80x128xf32, #tpu.memory_space<vmem>> -> memref<80x128xf32, #tpu.memory_space<vmem>>
      %dma_start3A_382 = arith.constant 0 : i32
      %dma_start3A_383 = tpu.memref_slice %arg9[%add3A_29, %dma_start3A_382] : memref<10240x128xf32, #tpu.memory_space<vmem_shared>> -> memref<80x128xf32, #tpu.memory_space<vmem_shared>>
      %dma_start3A_384 = arith.constant 0 : i32
      %dma_start3A_385 = tpu.memref_slice %arg9[%add3A_29, %dma_start3A_384] : memref<10240x128xf32, #tpu.memory_space<vmem_shared>> -> memref<80x128xf32, #tpu.memory_space<vmem_shared>>
      %dma_start3A_386 = arith.constant 0 : i32
      %dma_start3A_387 = arith.constant 0 : i32
      %dma_start3A_388 = tpu.memref_slice %arg14[%run_scoped3A_30, %dma_start3A_386, %dma_start3A_387] : memref<3x80x128xf32, #tpu.memory_space<vmem>> -> memref<1x80x128xf32, #tpu.memory_space<vmem>>
      %dma_start3A_389 = tpu.memref_squeeze %dma_start3A_388 : memref<1x80x128xf32, #tpu.memory_space<vmem>> -> memref<80x128xf32, #tpu.memory_space<vmem>>
      tpu.enqueue_dma source(%dma_start3A_389 : memref<80x128xf32, #tpu.memory_space<vmem>>) target(%dma_start3A_385 : memref<80x128xf32, #tpu.memory_space<vmem_shared>>) target_semaphore(%run_scoped3A_377 : memref<!tpu.dma_semaphore, #tpu.memory_space<semaphore_mem>>)
      %dma_wait3A_390 = arith.constant 0 : i32
      %dma_wait3A_391 = arith.constant 0 : i32
      %dma_wait3A_392 = tpu.memref_slice %arg14[%run_scoped3A_30, %dma_wait3A_390, %dma_wait3A_391] : memref<3x80x128xf32, #tpu.memory_space<vmem>> -> memref<1x80x128xf32, #tpu.memory_space<vmem>>
      %dma_wait3A_393 = tpu.memref_squeeze %dma_wait3A_392 : memref<1x80x128xf32, #tpu.memory_space<vmem>> -> memref<80x128xf32, #tpu.memory_space<vmem>>
      %dma_wait3A_394 = arith.constant 0 : i32
      %dma_wait3A_395 = tpu.memref_slice %arg9[%add3A_29, %dma_wait3A_394] : memref<10240x128xf32, #tpu.memory_space<vmem_shared>> -> memref<80x128xf32, #tpu.memory_space<vmem_shared>>
      %dma_wait3A_396 = arith.constant 0 : i32
      %dma_wait3A_397 = tpu.memref_slice %arg9[%add3A_29, %dma_wait3A_396] : memref<10240x128xf32, #tpu.memory_space<vmem_shared>> -> memref<80x128xf32, #tpu.memory_space<vmem_shared>>
      %dma_wait3A_398 = arith.constant 0 : i32
      %dma_wait3A_399 = arith.constant 0 : i32
      %dma_wait3A_400 = tpu.memref_slice %arg14[%run_scoped3A_30, %dma_wait3A_398, %dma_wait3A_399] : memref<3x80x128xf32, #tpu.memory_space<vmem>> -> memref<1x80x128xf32, #tpu.memory_space<vmem>>
      %dma_wait3A_401 = tpu.memref_squeeze %dma_wait3A_400 : memref<1x80x128xf32, #tpu.memory_space<vmem>> -> memref<80x128xf32, #tpu.memory_space<vmem>>
      tpu.wait_dma2 semaphore(%run_scoped3A_377 : memref<!tpu.dma_semaphore, #tpu.memory_space<semaphore_mem>>) src(%dma_wait3A_401 : memref<80x128xf32, #tpu.memory_space<vmem>>) dst(%dma_wait3A_397 : memref<80x128xf32, #tpu.memory_space<vmem_shared>>)
      tpu.yield
    }) : () -> ()
    %mul3A_31 = arith.constant 640 : i32
    %mul3A_32 = arith.muli %arg1, %mul3A_31 : i32
    %add3A_33 = arith.constant 400 : i32
    %add3A_34 = arith.addi %mul3A_32, %add3A_33 : i32
    %run_scoped3A_35 = arith.constant 0 : i32
    "tpu.region"() ({
      %run_scoped3A_377 = tpu.sem_alloc : memref<!tpu.dma_semaphore, #tpu.memory_space<semaphore_mem>>
      %dma_start3A_378 = arith.constant 0 : i32
      %dma_start3A_379 = arith.constant 0 : i32
      %dma_start3A_380 = tpu.memref_slice %arg14[%run_scoped3A_35, %dma_start3A_378, %dma_start3A_379] : memref<3x80x128xf32, #tpu.memory_space<vmem>> -> memref<1x80x128xf32, #tpu.memory_space<vmem>>
      %dma_start3A_381 = tpu.memref_squeeze %dma_start3A_380 : memref<1x80x128xf32, #tpu.memory_space<vmem>> -> memref<80x128xf32, #tpu.memory_space<vmem>>
      %dma_start3A_382 = arith.constant 0 : i32
      %dma_start3A_383 = tpu.memref_slice %arg9[%add3A_34, %dma_start3A_382] : memref<10240x128xf32, #tpu.memory_space<vmem_shared>> -> memref<80x128xf32, #tpu.memory_space<vmem_shared>>
      %dma_start3A_384 = arith.constant 0 : i32
      %dma_start3A_385 = tpu.memref_slice %arg9[%add3A_34, %dma_start3A_384] : memref<10240x128xf32, #tpu.memory_space<vmem_shared>> -> memref<80x128xf32, #tpu.memory_space<vmem_shared>>
      %dma_start3A_386 = arith.constant 0 : i32
      %dma_start3A_387 = arith.constant 0 : i32
      %dma_start3A_388 = tpu.memref_slice %arg14[%run_scoped3A_35, %dma_start3A_386, %dma_start3A_387] : memref<3x80x128xf32, #tpu.memory_space<vmem>> -> memref<1x80x128xf32, #tpu.memory_space<vmem>>
      %dma_start3A_389 = tpu.memref_squeeze %dma_start3A_388 : memref<1x80x128xf32, #tpu.memory_space<vmem>> -> memref<80x128xf32, #tpu.memory_space<vmem>>
      tpu.enqueue_dma source(%dma_start3A_389 : memref<80x128xf32, #tpu.memory_space<vmem>>) target(%dma_start3A_385 : memref<80x128xf32, #tpu.memory_space<vmem_shared>>) target_semaphore(%run_scoped3A_377 : memref<!tpu.dma_semaphore, #tpu.memory_space<semaphore_mem>>)
      %dma_wait3A_390 = arith.constant 0 : i32
      %dma_wait3A_391 = arith.constant 0 : i32
      %dma_wait3A_392 = tpu.memref_slice %arg14[%run_scoped3A_35, %dma_wait3A_390, %dma_wait3A_391] : memref<3x80x128xf32, #tpu.memory_space<vmem>> -> memref<1x80x128xf32, #tpu.memory_space<vmem>>
      %dma_wait3A_393 = tpu.memref_squeeze %dma_wait3A_392 : memref<1x80x128xf32, #tpu.memory_space<vmem>> -> memref<80x128xf32, #tpu.memory_space<vmem>>
      %dma_wait3A_394 = arith.constant 0 : i32
      %dma_wait3A_395 = tpu.memref_slice %arg9[%add3A_34, %dma_wait3A_394] : memref<10240x128xf32, #tpu.memory_space<vmem_shared>> -> memref<80x128xf32, #tpu.memory_space<vmem_shared>>
      %dma_wait3A_396 = arith.constant 0 : i32
      %dma_wait3A_397 = tpu.memref_slice %arg9[%add3A_34, %dma_wait3A_396] : memref<10240x128xf32, #tpu.memory_space<vmem_shared>> -> memref<80x128xf32, #tpu.memory_space<vmem_shared>>
      %dma_wait3A_398 = arith.constant 0 : i32
      %dma_wait3A_399 = arith.constant 0 : i32
      %dma_wait3A_400 = tpu.memref_slice %arg14[%run_scoped3A_35, %dma_wait3A_398, %dma_wait3A_399] : memref<3x80x128xf32, #tpu.memory_space<vmem>> -> memref<1x80x128xf32, #tpu.memory_space<vmem>>
      %dma_wait3A_401 = tpu.memref_squeeze %dma_wait3A_400 : memref<1x80x128xf32, #tpu.memory_space<vmem>> -> memref<80x128xf32, #tpu.memory_space<vmem>>
      tpu.wait_dma2 semaphore(%run_scoped3A_377 : memref<!tpu.dma_semaphore, #tpu.memory_space<semaphore_mem>>) src(%dma_wait3A_401 : memref<80x128xf32, #tpu.memory_space<vmem>>) dst(%dma_wait3A_397 : memref<80x128xf32, #tpu.memory_space<vmem_shared>>)
      tpu.yield
    }) : () -> ()
    %mul3A_36 = arith.constant 640 : i32
    %mul3A_37 = arith.muli %arg1, %mul3A_36 : i32
    %add3A_38 = arith.constant 480 : i32
    %add3A_39 = arith.addi %mul3A_37, %add3A_38 : i32
    %run_scoped3A_40 = arith.constant 0 : i32
    "tpu.region"() ({
      %run_scoped3A_377 = tpu.sem_alloc : memref<!tpu.dma_semaphore, #tpu.memory_space<semaphore_mem>>
      %dma_start3A_378 = arith.constant 0 : i32
      %dma_start3A_379 = arith.constant 0 : i32
      %dma_start3A_380 = tpu.memref_slice %arg14[%run_scoped3A_40, %dma_start3A_378, %dma_start3A_379] : memref<3x80x128xf32, #tpu.memory_space<vmem>> -> memref<1x80x128xf32, #tpu.memory_space<vmem>>
      %dma_start3A_381 = tpu.memref_squeeze %dma_start3A_380 : memref<1x80x128xf32, #tpu.memory_space<vmem>> -> memref<80x128xf32, #tpu.memory_space<vmem>>
      %dma_start3A_382 = arith.constant 0 : i32
      %dma_start3A_383 = tpu.memref_slice %arg9[%add3A_39, %dma_start3A_382] : memref<10240x128xf32, #tpu.memory_space<vmem_shared>> -> memref<80x128xf32, #tpu.memory_space<vmem_shared>>
      %dma_start3A_384 = arith.constant 0 : i32
      %dma_start3A_385 = tpu.memref_slice %arg9[%add3A_39, %dma_start3A_384] : memref<10240x128xf32, #tpu.memory_space<vmem_shared>> -> memref<80x128xf32, #tpu.memory_space<vmem_shared>>
      %dma_start3A_386 = arith.constant 0 : i32
      %dma_start3A_387 = arith.constant 0 : i32
      %dma_start3A_388 = tpu.memref_slice %arg14[%run_scoped3A_40, %dma_start3A_386, %dma_start3A_387] : memref<3x80x128xf32, #tpu.memory_space<vmem>> -> memref<1x80x128xf32, #tpu.memory_space<vmem>>
      %dma_start3A_389 = tpu.memref_squeeze %dma_start3A_388 : memref<1x80x128xf32, #tpu.memory_space<vmem>> -> memref<80x128xf32, #tpu.memory_space<vmem>>
      tpu.enqueue_dma source(%dma_start3A_389 : memref<80x128xf32, #tpu.memory_space<vmem>>) target(%dma_start3A_385 : memref<80x128xf32, #tpu.memory_space<vmem_shared>>) target_semaphore(%run_scoped3A_377 : memref<!tpu.dma_semaphore, #tpu.memory_space<semaphore_mem>>)
      %dma_wait3A_390 = arith.constant 0 : i32
      %dma_wait3A_391 = arith.constant 0 : i32
      %dma_wait3A_392 = tpu.memref_slice %arg14[%run_scoped3A_40, %dma_wait3A_390, %dma_wait3A_391] : memref<3x80x128xf32, #tpu.memory_space<vmem>> -> memref<1x80x128xf32, #tpu.memory_space<vmem>>
      %dma_wait3A_393 = tpu.memref_squeeze %dma_wait3A_392 : memref<1x80x128xf32, #tpu.memory_space<vmem>> -> memref<80x128xf32, #tpu.memory_space<vmem>>
      %dma_wait3A_394 = arith.constant 0 : i32
      %dma_wait3A_395 = tpu.memref_slice %arg9[%add3A_39, %dma_wait3A_394] : memref<10240x128xf32, #tpu.memory_space<vmem_shared>> -> memref<80x128xf32, #tpu.memory_space<vmem_shared>>
      %dma_wait3A_396 = arith.constant 0 : i32
      %dma_wait3A_397 = tpu.memref_slice %arg9[%add3A_39, %dma_wait3A_396] : memref<10240x128xf32, #tpu.memory_space<vmem_shared>> -> memref<80x128xf32, #tpu.memory_space<vmem_shared>>
      %dma_wait3A_398 = arith.constant 0 : i32
      %dma_wait3A_399 = arith.constant 0 : i32
      %dma_wait3A_400 = tpu.memref_slice %arg14[%run_scoped3A_40, %dma_wait3A_398, %dma_wait3A_399] : memref<3x80x128xf32, #tpu.memory_space<vmem>> -> memref<1x80x128xf32, #tpu.memory_space<vmem>>
      %dma_wait3A_401 = tpu.memref_squeeze %dma_wait3A_400 : memref<1x80x128xf32, #tpu.memory_space<vmem>> -> memref<80x128xf32, #tpu.memory_space<vmem>>
      tpu.wait_dma2 semaphore(%run_scoped3A_377 : memref<!tpu.dma_semaphore, #tpu.memory_space<semaphore_mem>>) src(%dma_wait3A_401 : memref<80x128xf32, #tpu.memory_space<vmem>>) dst(%dma_wait3A_397 : memref<80x128xf32, #tpu.memory_space<vmem_shared>>)
      tpu.yield
    }) : () -> ()
    %mul3A_41 = arith.constant 640 : i32
    %mul3A_42 = arith.muli %arg1, %mul3A_41 : i32
    %add3A_43 = arith.constant 560 : i32
    %add3A_44 = arith.addi %mul3A_42, %add3A_43 : i32
    %run_scoped3A_45 = arith.constant 0 : i32
    "tpu.region"() ({
      %run_scoped3A_377 = tpu.sem_alloc : memref<!tpu.dma_semaphore, #tpu.memory_space<semaphore_mem>>
      %dma_start3A_378 = arith.constant 0 : i32
      %dma_start3A_379 = arith.constant 0 : i32
      %dma_start3A_380 = tpu.memref_slice %arg14[%run_scoped3A_45, %dma_start3A_378, %dma_start3A_379] : memref<3x80x128xf32, #tpu.memory_space<vmem>> -> memref<1x80x128xf32, #tpu.memory_space<vmem>>
      %dma_start3A_381 = tpu.memref_squeeze %dma_start3A_380 : memref<1x80x128xf32, #tpu.memory_space<vmem>> -> memref<80x128xf32, #tpu.memory_space<vmem>>
      %dma_start3A_382 = arith.constant 0 : i32
      %dma_start3A_383 = tpu.memref_slice %arg9[%add3A_44, %dma_start3A_382] : memref<10240x128xf32, #tpu.memory_space<vmem_shared>> -> memref<80x128xf32, #tpu.memory_space<vmem_shared>>
      %dma_start3A_384 = arith.constant 0 : i32
      %dma_start3A_385 = tpu.memref_slice %arg9[%add3A_44, %dma_start3A_384] : memref<10240x128xf32, #tpu.memory_space<vmem_shared>> -> memref<80x128xf32, #tpu.memory_space<vmem_shared>>
      %dma_start3A_386 = arith.constant 0 : i32
      %dma_start3A_387 = arith.constant 0 : i32
      %dma_start3A_388 = tpu.memref_slice %arg14[%run_scoped3A_45, %dma_start3A_386, %dma_start3A_387] : memref<3x80x128xf32, #tpu.memory_space<vmem>> -> memref<1x80x128xf32, #tpu.memory_space<vmem>>
      %dma_start3A_389 = tpu.memref_squeeze %dma_start3A_388 : memref<1x80x128xf32, #tpu.memory_space<vmem>> -> memref<80x128xf32, #tpu.memory_space<vmem>>
      tpu.enqueue_dma source(%dma_start3A_389 : memref<80x128xf32, #tpu.memory_space<vmem>>) target(%dma_start3A_385 : memref<80x128xf32, #tpu.memory_space<vmem_shared>>) target_semaphore(%run_scoped3A_377 : memref<!tpu.dma_semaphore, #tpu.memory_space<semaphore_mem>>)
      %dma_wait3A_390 = arith.constant 0 : i32
      %dma_wait3A_391 = arith.constant 0 : i32
      %dma_wait3A_392 = tpu.memref_slice %arg14[%run_scoped3A_45, %dma_wait3A_390, %dma_wait3A_391] : memref<3x80x128xf32, #tpu.memory_space<vmem>> -> memref<1x80x128xf32, #tpu.memory_space<vmem>>
      %dma_wait3A_393 = tpu.memref_squeeze %dma_wait3A_392 : memref<1x80x128xf32, #tpu.memory_space<vmem>> -> memref<80x128xf32, #tpu.memory_space<vmem>>
      %dma_wait3A_394 = arith.constant 0 : i32
      %dma_wait3A_395 = tpu.memref_slice %arg9[%add3A_44, %dma_wait3A_394] : memref<10240x128xf32, #tpu.memory_space<vmem_shared>> -> memref<80x128xf32, #tpu.memory_space<vmem_shared>>
      %dma_wait3A_396 = arith.constant 0 : i32
      %dma_wait3A_397 = tpu.memref_slice %arg9[%add3A_44, %dma_wait3A_396] : memref<10240x128xf32, #tpu.memory_space<vmem_shared>> -> memref<80x128xf32, #tpu.memory_space<vmem_shared>>
      %dma_wait3A_398 = arith.constant 0 : i32
      %dma_wait3A_399 = arith.constant 0 : i32
      %dma_wait3A_400 = tpu.memref_slice %arg14[%run_scoped3A_45, %dma_wait3A_398, %dma_wait3A_399] : memref<3x80x128xf32, #tpu.memory_space<vmem>> -> memref<1x80x128xf32, #tpu.memory_space<vmem>>
      %dma_wait3A_401 = tpu.memref_squeeze %dma_wait3A_400 : memref<1x80x128xf32, #tpu.memory_space<vmem>> -> memref<80x128xf32, #tpu.memory_space<vmem>>
      tpu.wait_dma2 semaphore(%run_scoped3A_377 : memref<!tpu.dma_semaphore, #tpu.memory_space<semaphore_mem>>) src(%dma_wait3A_401 : memref<80x128xf32, #tpu.memory_space<vmem>>) dst(%dma_wait3A_397 : memref<80x128xf32, #tpu.memory_space<vmem_shared>>)
      tpu.yield
    }) : () -> ()
    %eq3A = arith.constant 0 : i32
    %eq3A_46 = arith.cmpi eq, %arg1, %eq3A : i32
    %convert_element_type3A = arith.extui %eq3A_46 : i1 to i32
    %cond3A = arith.constant 0 : i32
    %cond3A_47 = arith.cmpi ne, %convert_element_type3A, %cond3A : i32
    scf.if %cond3A_47 {
      "tpu.region"() ({
        %run_scoped3A_377 = tpu.sem_alloc : memref<!tpu.dma_semaphore, #tpu.memory_space<semaphore_mem>>
        tpu.enqueue_dma source(%arg3 : memref<50000xi32, #tpu.memory_space<hbm>>) target(%arg8 : memref<50000xi32, #tpu.memory_space<vmem_shared>>) target_semaphore(%run_scoped3A_377 : memref<!tpu.dma_semaphore, #tpu.memory_space<semaphore_mem>>)
        tpu.wait_dma2 semaphore(%run_scoped3A_377 : memref<!tpu.dma_semaphore, #tpu.memory_space<semaphore_mem>>) src(%arg3 : memref<50000xi32, #tpu.memory_space<hbm>>) dst(%arg8 : memref<50000xi32, #tpu.memory_space<vmem_shared>>)
        tpu.yield
      }) : () -> ()
    } else {
    }
    %barrier3A = arith.constant 0 : index
    tpu.barrier barrier_id(%barrier3A)
    %mul3A_48 = arith.constant 10000 : i32
    %mul3A_49 = arith.muli %add3A, %mul3A_48 : i32
    %add3A_50 = arith.constant 0 : i32
    %add3A_51 = arith.addi %mul3A_49, %add3A_50 : i32
    %dma_start3A = arith.constant 0 : i32
    %dma_start3A_52 = arith.constant 0 : i32
    %dma_start3A_53 = arith.constant 0 : i32
    %dma_start3A_54 = tpu.memref_slice %arg11[%dma_start3A, %dma_start3A_53] : memref<4x80xi32, #tpu.memory_space<vmem>> -> memref<1x80xi32, #tpu.memory_space<vmem>>
    %dma_start3A_55 = tpu.memref_squeeze %dma_start3A_54 : memref<1x80xi32, #tpu.memory_space<vmem>> -> memref<80xi32, #tpu.memory_space<vmem>>
    %dma_start3A_56 = tpu.memref_slice %arg4[%add3A_51] : memref<320000xi32, #tpu.memory_space<hbm>> -> memref<80xi32, #tpu.memory_space<hbm>>
    %dma_start3A_57 = tpu.memref_slice %arg15[%dma_start3A_52] : memref<4x!tpu.dma_semaphore, #tpu.memory_space<semaphore_mem>> -> memref<1x!tpu.dma_semaphore, #tpu.memory_space<semaphore_mem>>
    %dma_start3A_58 = tpu.memref_squeeze %dma_start3A_57 : memref<1x!tpu.dma_semaphore, #tpu.memory_space<semaphore_mem>> -> memref<!tpu.dma_semaphore, #tpu.memory_space<semaphore_mem>>
    %dma_start3A_59 = arith.constant 0 : i32
    %dma_start3A_60 = tpu.memref_slice %arg11[%dma_start3A, %dma_start3A_59] : memref<4x80xi32, #tpu.memory_space<vmem>> -> memref<1x80xi32, #tpu.memory_space<vmem>>
    %dma_start3A_61 = tpu.memref_squeeze %dma_start3A_60 : memref<1x80xi32, #tpu.memory_space<vmem>> -> memref<80xi32, #tpu.memory_space<vmem>>
    %dma_start3A_62 = tpu.memref_slice %arg4[%add3A_51] : memref<320000xi32, #tpu.memory_space<hbm>> -> memref<80xi32, #tpu.memory_space<hbm>>
    tpu.enqueue_dma source(%dma_start3A_62 : memref<80xi32, #tpu.memory_space<hbm>>) target(%dma_start3A_61 : memref<80xi32, #tpu.memory_space<vmem>>) target_semaphore(%dma_start3A_58 : memref<!tpu.dma_semaphore, #tpu.memory_space<semaphore_mem>>)
    %dma_start3A_63 = arith.constant 0 : i32
    %dma_start3A_64 = arith.constant 0 : i32
    %dma_start3A_65 = arith.constant 0 : i32
    %dma_start3A_66 = tpu.memref_slice %arg12[%dma_start3A_63, %dma_start3A_65] : memref<4x80xf32, #tpu.memory_space<vmem>> -> memref<1x80xf32, #tpu.memory_space<vmem>>
    %dma_start3A_67 = tpu.memref_squeeze %dma_start3A_66 : memref<1x80xf32, #tpu.memory_space<vmem>> -> memref<80xf32, #tpu.memory_space<vmem>>
    %dma_start3A_68 = tpu.memref_slice %arg6[%add3A_51] : memref<320000xf32, #tpu.memory_space<hbm>> -> memref<80xf32, #tpu.memory_space<hbm>>
    %dma_start3A_69 = tpu.memref_slice %arg16[%dma_start3A_64] : memref<4x!tpu.dma_semaphore, #tpu.memory_space<semaphore_mem>> -> memref<1x!tpu.dma_semaphore, #tpu.memory_space<semaphore_mem>>
    %dma_start3A_70 = tpu.memref_squeeze %dma_start3A_69 : memref<1x!tpu.dma_semaphore, #tpu.memory_space<semaphore_mem>> -> memref<!tpu.dma_semaphore, #tpu.memory_space<semaphore_mem>>
    %dma_start3A_71 = arith.constant 0 : i32
    %dma_start3A_72 = tpu.memref_slice %arg12[%dma_start3A_63, %dma_start3A_71] : memref<4x80xf32, #tpu.memory_space<vmem>> -> memref<1x80xf32, #tpu.memory_space<vmem>>
    %dma_start3A_73 = tpu.memref_squeeze %dma_start3A_72 : memref<1x80xf32, #tpu.memory_space<vmem>> -> memref<80xf32, #tpu.memory_space<vmem>>
    %dma_start3A_74 = tpu.memref_slice %arg6[%add3A_51] : memref<320000xf32, #tpu.memory_space<hbm>> -> memref<80xf32, #tpu.memory_space<hbm>>
    tpu.enqueue_dma source(%dma_start3A_74 : memref<80xf32, #tpu.memory_space<hbm>>) target(%dma_start3A_73 : memref<80xf32, #tpu.memory_space<vmem>>) target_semaphore(%dma_start3A_70 : memref<!tpu.dma_semaphore, #tpu.memory_space<semaphore_mem>>)
    %dma_start3A_75 = arith.constant 0 : i32
    %dma_start3A_76 = arith.constant 0 : i32
    %dma_start3A_77 = arith.constant 0 : i32
    %dma_start3A_78 = arith.constant 0 : i32
    %dma_start3A_79 = tpu.memref_slice %arg10[%dma_start3A_75, %dma_start3A_76, %dma_start3A_78] : memref<6x1x80xi32, #tpu.memory_space<vmem>> -> memref<1x1x80xi32, #tpu.memory_space<vmem>>
    %dma_start3A_80 = tpu.memref_squeeze %dma_start3A_79 : memref<1x1x80xi32, #tpu.memory_space<vmem>> -> memref<80xi32, #tpu.memory_space<vmem>>
    %dma_start3A_81 = tpu.memref_slice %arg5[%add3A_51] : memref<320000xi32, #tpu.memory_space<hbm>> -> memref<80xi32, #tpu.memory_space<hbm>>
    %dma_start3A_82 = tpu.memref_slice %arg17[%dma_start3A_77] : memref<6x!tpu.dma_semaphore, #tpu.memory_space<semaphore_mem>> -> memref<1x!tpu.dma_semaphore, #tpu.memory_space<semaphore_mem>>
    %dma_start3A_83 = tpu.memref_squeeze %dma_start3A_82 : memref<1x!tpu.dma_semaphore, #tpu.memory_space<semaphore_mem>> -> memref<!tpu.dma_semaphore, #tpu.memory_space<semaphore_mem>>
    %dma_start3A_84 = arith.constant 0 : i32
    %dma_start3A_85 = tpu.memref_slice %arg10[%dma_start3A_75, %dma_start3A_76, %dma_start3A_84] : memref<6x1x80xi32, #tpu.memory_space<vmem>> -> memref<1x1x80xi32, #tpu.memory_space<vmem>>
    %dma_start3A_86 = tpu.memref_squeeze %dma_start3A_85 : memref<1x1x80xi32, #tpu.memory_space<vmem>> -> memref<80xi32, #tpu.memory_space<vmem>>
    %dma_start3A_87 = tpu.memref_slice %arg5[%add3A_51] : memref<320000xi32, #tpu.memory_space<hbm>> -> memref<80xi32, #tpu.memory_space<hbm>>
    tpu.enqueue_dma source(%dma_start3A_87 : memref<80xi32, #tpu.memory_space<hbm>>) target(%dma_start3A_86 : memref<80xi32, #tpu.memory_space<vmem>>) target_semaphore(%dma_start3A_83 : memref<!tpu.dma_semaphore, #tpu.memory_space<semaphore_mem>>)
    %mul3A_88 = arith.constant 10000 : i32
    %mul3A_89 = arith.muli %add3A, %mul3A_88 : i32
    %add3A_90 = arith.constant 80 : i32
    %add3A_91 = arith.addi %mul3A_89, %add3A_90 : i32
    %dma_start3A_92 = arith.constant 1 : i32
    %dma_start3A_93 = arith.constant 1 : i32
    %dma_start3A_94 = arith.constant 0 : i32
    %dma_start3A_95 = tpu.memref_slice %arg11[%dma_start3A_92, %dma_start3A_94] : memref<4x80xi32, #tpu.memory_space<vmem>> -> memref<1x80xi32, #tpu.memory_space<vmem>>
    %dma_start3A_96 = tpu.memref_squeeze %dma_start3A_95 : memref<1x80xi32, #tpu.memory_space<vmem>> -> memref<80xi32, #tpu.memory_space<vmem>>
    %dma_start3A_97 = tpu.memref_slice %arg4[%add3A_91] : memref<320000xi32, #tpu.memory_space<hbm>> -> memref<80xi32, #tpu.memory_space<hbm>>
    %dma_start3A_98 = tpu.memref_slice %arg15[%dma_start3A_93] : memref<4x!tpu.dma_semaphore, #tpu.memory_space<semaphore_mem>> -> memref<1x!tpu.dma_semaphore, #tpu.memory_space<semaphore_mem>>
    %dma_start3A_99 = tpu.memref_squeeze %dma_start3A_98 : memref<1x!tpu.dma_semaphore, #tpu.memory_space<semaphore_mem>> -> memref<!tpu.dma_semaphore, #tpu.memory_space<semaphore_mem>>
    %dma_start3A_100 = arith.constant 0 : i32
    %dma_start3A_101 = tpu.memref_slice %arg11[%dma_start3A_92, %dma_start3A_100] : memref<4x80xi32, #tpu.memory_space<vmem>> -> memref<1x80xi32, #tpu.memory_space<vmem>>
    %dma_start3A_102 = tpu.memref_squeeze %dma_start3A_101 : memref<1x80xi32, #tpu.memory_space<vmem>> -> memref<80xi32, #tpu.memory_space<vmem>>
    %dma_start3A_103 = tpu.memref_slice %arg4[%add3A_91] : memref<320000xi32, #tpu.memory_space<hbm>> -> memref<80xi32, #tpu.memory_space<hbm>>
    tpu.enqueue_dma source(%dma_start3A_103 : memref<80xi32, #tpu.memory_space<hbm>>) target(%dma_start3A_102 : memref<80xi32, #tpu.memory_space<vmem>>) target_semaphore(%dma_start3A_99 : memref<!tpu.dma_semaphore, #tpu.memory_space<semaphore_mem>>)
    %dma_start3A_104 = arith.constant 1 : i32
    %dma_start3A_105 = arith.constant 1 : i32
    %dma_start3A_106 = arith.constant 0 : i32
    %dma_start3A_107 = tpu.memref_slice %arg12[%dma_start3A_104, %dma_start3A_106] : memref<4x80xf32, #tpu.memory_space<vmem>> -> memref<1x80xf32, #tpu.memory_space<vmem>>
    %dma_start3A_108 = tpu.memref_squeeze %dma_start3A_107 : memref<1x80xf32, #tpu.memory_space<vmem>> -> memref<80xf32, #tpu.memory_space<vmem>>
    %dma_start3A_109 = tpu.memref_slice %arg6[%add3A_91] : memref<320000xf32, #tpu.memory_space<hbm>> -> memref<80xf32, #tpu.memory_space<hbm>>
    %dma_start3A_110 = tpu.memref_slice %arg16[%dma_start3A_105] : memref<4x!tpu.dma_semaphore, #tpu.memory_space<semaphore_mem>> -> memref<1x!tpu.dma_semaphore, #tpu.memory_space<semaphore_mem>>
    %dma_start3A_111 = tpu.memref_squeeze %dma_start3A_110 : memref<1x!tpu.dma_semaphore, #tpu.memory_space<semaphore_mem>> -> memref<!tpu.dma_semaphore, #tpu.memory_space<semaphore_mem>>
    %dma_start3A_112 = arith.constant 0 : i32
    %dma_start3A_113 = tpu.memref_slice %arg12[%dma_start3A_104, %dma_start3A_112] : memref<4x80xf32, #tpu.memory_space<vmem>> -> memref<1x80xf32, #tpu.memory_space<vmem>>
    %dma_start3A_114 = tpu.memref_squeeze %dma_start3A_113 : memref<1x80xf32, #tpu.memory_space<vmem>> -> memref<80xf32, #tpu.memory_space<vmem>>
    %dma_start3A_115 = tpu.memref_slice %arg6[%add3A_91] : memref<320000xf32, #tpu.memory_space<hbm>> -> memref<80xf32, #tpu.memory_space<hbm>>
    tpu.enqueue_dma source(%dma_start3A_115 : memref<80xf32, #tpu.memory_space<hbm>>) target(%dma_start3A_114 : memref<80xf32, #tpu.memory_space<vmem>>) target_semaphore(%dma_start3A_111 : memref<!tpu.dma_semaphore, #tpu.memory_space<semaphore_mem>>)
    %dma_start3A_116 = arith.constant 1 : i32
    %dma_start3A_117 = arith.constant 0 : i32
    %dma_start3A_118 = arith.constant 1 : i32
    %dma_start3A_119 = arith.constant 0 : i32
    %dma_start3A_120 = tpu.memref_slice %arg10[%dma_start3A_116, %dma_start3A_117, %dma_start3A_119] : memref<6x1x80xi32, #tpu.memory_space<vmem>> -> memref<1x1x80xi32, #tpu.memory_space<vmem>>
    %dma_start3A_121 = tpu.memref_squeeze %dma_start3A_120 : memref<1x1x80xi32, #tpu.memory_space<vmem>> -> memref<80xi32, #tpu.memory_space<vmem>>
    %dma_start3A_122 = tpu.memref_slice %arg5[%add3A_91] : memref<320000xi32, #tpu.memory_space<hbm>> -> memref<80xi32, #tpu.memory_space<hbm>>
    %dma_start3A_123 = tpu.memref_slice %arg17[%dma_start3A_118] : memref<6x!tpu.dma_semaphore, #tpu.memory_space<semaphore_mem>> -> memref<1x!tpu.dma_semaphore, #tpu.memory_space<semaphore_mem>>
    %dma_start3A_124 = tpu.memref_squeeze %dma_start3A_123 : memref<1x!tpu.dma_semaphore, #tpu.memory_space<semaphore_mem>> -> memref<!tpu.dma_semaphore, #tpu.memory_space<semaphore_mem>>
    %dma_start3A_125 = arith.constant 0 : i32
    %dma_start3A_126 = tpu.memref_slice %arg10[%dma_start3A_116, %dma_start3A_117, %dma_start3A_125] : memref<6x1x80xi32, #tpu.memory_space<vmem>> -> memref<1x1x80xi32, #tpu.memory_space<vmem>>
    %dma_start3A_127 = tpu.memref_squeeze %dma_start3A_126 : memref<1x1x80xi32, #tpu.memory_space<vmem>> -> memref<80xi32, #tpu.memory_space<vmem>>
    %dma_start3A_128 = tpu.memref_slice %arg5[%add3A_91] : memref<320000xi32, #tpu.memory_space<hbm>> -> memref<80xi32, #tpu.memory_space<hbm>>
    tpu.enqueue_dma source(%dma_start3A_128 : memref<80xi32, #tpu.memory_space<hbm>>) target(%dma_start3A_127 : memref<80xi32, #tpu.memory_space<vmem>>) target_semaphore(%dma_start3A_124 : memref<!tpu.dma_semaphore, #tpu.memory_space<semaphore_mem>>)
    %mul3A_129 = arith.constant 10000 : i32
    %mul3A_130 = arith.muli %add3A, %mul3A_129 : i32
    %add3A_131 = arith.constant 160 : i32
    %add3A_132 = arith.addi %mul3A_130, %add3A_131 : i32
    %dma_start3A_133 = arith.constant 2 : i32
    %dma_start3A_134 = arith.constant 2 : i32
    %dma_start3A_135 = arith.constant 0 : i32
    %dma_start3A_136 = tpu.memref_slice %arg11[%dma_start3A_133, %dma_start3A_135] : memref<4x80xi32, #tpu.memory_space<vmem>> -> memref<1x80xi32, #tpu.memory_space<vmem>>
    %dma_start3A_137 = tpu.memref_squeeze %dma_start3A_136 : memref<1x80xi32, #tpu.memory_space<vmem>> -> memref<80xi32, #tpu.memory_space<vmem>>
    %dma_start3A_138 = tpu.memref_slice %arg4[%add3A_132] : memref<320000xi32, #tpu.memory_space<hbm>> -> memref<80xi32, #tpu.memory_space<hbm>>
    %dma_start3A_139 = tpu.memref_slice %arg15[%dma_start3A_134] : memref<4x!tpu.dma_semaphore, #tpu.memory_space<semaphore_mem>> -> memref<1x!tpu.dma_semaphore, #tpu.memory_space<semaphore_mem>>
    %dma_start3A_140 = tpu.memref_squeeze %dma_start3A_139 : memref<1x!tpu.dma_semaphore, #tpu.memory_space<semaphore_mem>> -> memref<!tpu.dma_semaphore, #tpu.memory_space<semaphore_mem>>
    %dma_start3A_141 = arith.constant 0 : i32
    %dma_start3A_142 = tpu.memref_slice %arg11[%dma_start3A_133, %dma_start3A_141] : memref<4x80xi32, #tpu.memory_space<vmem>> -> memref<1x80xi32, #tpu.memory_space<vmem>>
    %dma_start3A_143 = tpu.memref_squeeze %dma_start3A_142 : memref<1x80xi32, #tpu.memory_space<vmem>> -> memref<80xi32, #tpu.memory_space<vmem>>
    %dma_start3A_144 = tpu.memref_slice %arg4[%add3A_132] : memref<320000xi32, #tpu.memory_space<hbm>> -> memref<80xi32, #tpu.memory_space<hbm>>
    tpu.enqueue_dma source(%dma_start3A_144 : memref<80xi32, #tpu.memory_space<hbm>>) target(%dma_start3A_143 : memref<80xi32, #tpu.memory_space<vmem>>) target_semaphore(%dma_start3A_140 : memref<!tpu.dma_semaphore, #tpu.memory_space<semaphore_mem>>)
    %dma_start3A_145 = arith.constant 2 : i32
    %dma_start3A_146 = arith.constant 2 : i32
    %dma_start3A_147 = arith.constant 0 : i32
    %dma_start3A_148 = tpu.memref_slice %arg12[%dma_start3A_145, %dma_start3A_147] : memref<4x80xf32, #tpu.memory_space<vmem>> -> memref<1x80xf32, #tpu.memory_space<vmem>>
    %dma_start3A_149 = tpu.memref_squeeze %dma_start3A_148 : memref<1x80xf32, #tpu.memory_space<vmem>> -> memref<80xf32, #tpu.memory_space<vmem>>
    %dma_start3A_150 = tpu.memref_slice %arg6[%add3A_132] : memref<320000xf32, #tpu.memory_space<hbm>> -> memref<80xf32, #tpu.memory_space<hbm>>
    %dma_start3A_151 = tpu.memref_slice %arg16[%dma_start3A_146] : memref<4x!tpu.dma_semaphore, #tpu.memory_space<semaphore_mem>> -> memref<1x!tpu.dma_semaphore, #tpu.memory_space<semaphore_mem>>
    %dma_start3A_152 = tpu.memref_squeeze %dma_start3A_151 : memref<1x!tpu.dma_semaphore, #tpu.memory_space<semaphore_mem>> -> memref<!tpu.dma_semaphore, #tpu.memory_space<semaphore_mem>>
    %dma_start3A_153 = arith.constant 0 : i32
    %dma_start3A_154 = tpu.memref_slice %arg12[%dma_start3A_145, %dma_start3A_153] : memref<4x80xf32, #tpu.memory_space<vmem>> -> memref<1x80xf32, #tpu.memory_space<vmem>>
    %dma_start3A_155 = tpu.memref_squeeze %dma_start3A_154 : memref<1x80xf32, #tpu.memory_space<vmem>> -> memref<80xf32, #tpu.memory_space<vmem>>
    %dma_start3A_156 = tpu.memref_slice %arg6[%add3A_132] : memref<320000xf32, #tpu.memory_space<hbm>> -> memref<80xf32, #tpu.memory_space<hbm>>
    tpu.enqueue_dma source(%dma_start3A_156 : memref<80xf32, #tpu.memory_space<hbm>>) target(%dma_start3A_155 : memref<80xf32, #tpu.memory_space<vmem>>) target_semaphore(%dma_start3A_152 : memref<!tpu.dma_semaphore, #tpu.memory_space<semaphore_mem>>)
    %dma_start3A_157 = arith.constant 2 : i32
    %dma_start3A_158 = arith.constant 0 : i32
    %dma_start3A_159 = arith.constant 2 : i32
    %dma_start3A_160 = arith.constant 0 : i32
    %dma_start3A_161 = tpu.memref_slice %arg10[%dma_start3A_157, %dma_start3A_158, %dma_start3A_160] : memref<6x1x80xi32, #tpu.memory_space<vmem>> -> memref<1x1x80xi32, #tpu.memory_space<vmem>>
    %dma_start3A_162 = tpu.memref_squeeze %dma_start3A_161 : memref<1x1x80xi32, #tpu.memory_space<vmem>> -> memref<80xi32, #tpu.memory_space<vmem>>
    %dma_start3A_163 = tpu.memref_slice %arg5[%add3A_132] : memref<320000xi32, #tpu.memory_space<hbm>> -> memref<80xi32, #tpu.memory_space<hbm>>
    %dma_start3A_164 = tpu.memref_slice %arg17[%dma_start3A_159] : memref<6x!tpu.dma_semaphore, #tpu.memory_space<semaphore_mem>> -> memref<1x!tpu.dma_semaphore, #tpu.memory_space<semaphore_mem>>
    %dma_start3A_165 = tpu.memref_squeeze %dma_start3A_164 : memref<1x!tpu.dma_semaphore, #tpu.memory_space<semaphore_mem>> -> memref<!tpu.dma_semaphore, #tpu.memory_space<semaphore_mem>>
    %dma_start3A_166 = arith.constant 0 : i32
    %dma_start3A_167 = tpu.memref_slice %arg10[%dma_start3A_157, %dma_start3A_158, %dma_start3A_166] : memref<6x1x80xi32, #tpu.memory_space<vmem>> -> memref<1x1x80xi32, #tpu.memory_space<vmem>>
    %dma_start3A_168 = tpu.memref_squeeze %dma_start3A_167 : memref<1x1x80xi32, #tpu.memory_space<vmem>> -> memref<80xi32, #tpu.memory_space<vmem>>
    %dma_start3A_169 = tpu.memref_slice %arg5[%add3A_132] : memref<320000xi32, #tpu.memory_space<hbm>> -> memref<80xi32, #tpu.memory_space<hbm>>
    tpu.enqueue_dma source(%dma_start3A_169 : memref<80xi32, #tpu.memory_space<hbm>>) target(%dma_start3A_168 : memref<80xi32, #tpu.memory_space<vmem>>) target_semaphore(%dma_start3A_165 : memref<!tpu.dma_semaphore, #tpu.memory_space<semaphore_mem>>)
    %mul3A_170 = arith.constant 10000 : i32
    %mul3A_171 = arith.muli %add3A, %mul3A_170 : i32
    %add3A_172 = arith.constant 0 : i32
    %add3A_173 = arith.addi %mul3A_171, %add3A_172 : i32
    %dma_wait3A = arith.constant 0 : i32
    %dma_wait3A_174 = arith.constant 0 : i32
    %dma_wait3A_175 = arith.constant 0 : i32
    %dma_wait3A_176 = tpu.memref_slice %arg11[%dma_wait3A, %dma_wait3A_175] : memref<4x80xi32, #tpu.memory_space<vmem>> -> memref<1x80xi32, #tpu.memory_space<vmem>>
    %dma_wait3A_177 = tpu.memref_squeeze %dma_wait3A_176 : memref<1x80xi32, #tpu.memory_space<vmem>> -> memref<80xi32, #tpu.memory_space<vmem>>
    %dma_wait3A_178 = tpu.memref_slice %arg4[%add3A_173] : memref<320000xi32, #tpu.memory_space<hbm>> -> memref<80xi32, #tpu.memory_space<hbm>>
    %dma_wait3A_179 = tpu.memref_slice %arg15[%dma_wait3A_174] : memref<4x!tpu.dma_semaphore, #tpu.memory_space<semaphore_mem>> -> memref<1x!tpu.dma_semaphore, #tpu.memory_space<semaphore_mem>>
    %dma_wait3A_180 = tpu.memref_squeeze %dma_wait3A_179 : memref<1x!tpu.dma_semaphore, #tpu.memory_space<semaphore_mem>> -> memref<!tpu.dma_semaphore, #tpu.memory_space<semaphore_mem>>
    %dma_wait3A_181 = arith.constant 0 : i32
    %dma_wait3A_182 = tpu.memref_slice %arg11[%dma_wait3A, %dma_wait3A_181] : memref<4x80xi32, #tpu.memory_space<vmem>> -> memref<1x80xi32, #tpu.memory_space<vmem>>
    %dma_wait3A_183 = tpu.memref_squeeze %dma_wait3A_182 : memref<1x80xi32, #tpu.memory_space<vmem>> -> memref<80xi32, #tpu.memory_space<vmem>>
    %dma_wait3A_184 = tpu.memref_slice %arg4[%add3A_173] : memref<320000xi32, #tpu.memory_space<hbm>> -> memref<80xi32, #tpu.memory_space<hbm>>
    tpu.wait_dma2 semaphore(%dma_wait3A_180 : memref<!tpu.dma_semaphore, #tpu.memory_space<semaphore_mem>>) src(%dma_wait3A_184 : memref<80xi32, #tpu.memory_space<hbm>>) dst(%dma_wait3A_183 : memref<80xi32, #tpu.memory_space<vmem>>)
    %dma_wait3A_185 = arith.constant 0 : i32
    %dma_wait3A_186 = arith.constant 0 : i32
    %dma_wait3A_187 = arith.constant 0 : i32
    %dma_wait3A_188 = tpu.memref_slice %arg12[%dma_wait3A_185, %dma_wait3A_187] : memref<4x80xf32, #tpu.memory_space<vmem>> -> memref<1x80xf32, #tpu.memory_space<vmem>>
    %dma_wait3A_189 = tpu.memref_squeeze %dma_wait3A_188 : memref<1x80xf32, #tpu.memory_space<vmem>> -> memref<80xf32, #tpu.memory_space<vmem>>
    %dma_wait3A_190 = tpu.memref_slice %arg6[%add3A_173] : memref<320000xf32, #tpu.memory_space<hbm>> -> memref<80xf32, #tpu.memory_space<hbm>>
    %dma_wait3A_191 = tpu.memref_slice %arg16[%dma_wait3A_186] : memref<4x!tpu.dma_semaphore, #tpu.memory_space<semaphore_mem>> -> memref<1x!tpu.dma_semaphore, #tpu.memory_space<semaphore_mem>>
    %dma_wait3A_192 = tpu.memref_squeeze %dma_wait3A_191 : memref<1x!tpu.dma_semaphore, #tpu.memory_space<semaphore_mem>> -> memref<!tpu.dma_semaphore, #tpu.memory_space<semaphore_mem>>
    %dma_wait3A_193 = arith.constant 0 : i32
    %dma_wait3A_194 = tpu.memref_slice %arg12[%dma_wait3A_185, %dma_wait3A_193] : memref<4x80xf32, #tpu.memory_space<vmem>> -> memref<1x80xf32, #tpu.memory_space<vmem>>
    %dma_wait3A_195 = tpu.memref_squeeze %dma_wait3A_194 : memref<1x80xf32, #tpu.memory_space<vmem>> -> memref<80xf32, #tpu.memory_space<vmem>>
    %dma_wait3A_196 = tpu.memref_slice %arg6[%add3A_173] : memref<320000xf32, #tpu.memory_space<hbm>> -> memref<80xf32, #tpu.memory_space<hbm>>
    tpu.wait_dma2 semaphore(%dma_wait3A_192 : memref<!tpu.dma_semaphore, #tpu.memory_space<semaphore_mem>>) src(%dma_wait3A_196 : memref<80xf32, #tpu.memory_space<hbm>>) dst(%dma_wait3A_195 : memref<80xf32, #tpu.memory_space<vmem>>)
    %dma_wait3A_197 = arith.constant 0 : i32
    %dma_wait3A_198 = arith.constant 0 : i32
    %dma_wait3A_199 = arith.constant 0 : i32
    %dma_wait3A_200 = arith.constant 0 : i32
    %dma_wait3A_201 = tpu.memref_slice %arg10[%dma_wait3A_197, %dma_wait3A_198, %dma_wait3A_200] : memref<6x1x80xi32, #tpu.memory_space<vmem>> -> memref<1x1x80xi32, #tpu.memory_space<vmem>>
    %dma_wait3A_202 = tpu.memref_squeeze %dma_wait3A_201 : memref<1x1x80xi32, #tpu.memory_space<vmem>> -> memref<80xi32, #tpu.memory_space<vmem>>
    %dma_wait3A_203 = tpu.memref_slice %arg5[%add3A_173] : memref<320000xi32, #tpu.memory_space<hbm>> -> memref<80xi32, #tpu.memory_space<hbm>>
    %dma_wait3A_204 = tpu.memref_slice %arg17[%dma_wait3A_199] : memref<6x!tpu.dma_semaphore, #tpu.memory_space<semaphore_mem>> -> memref<1x!tpu.dma_semaphore, #tpu.memory_space<semaphore_mem>>
    %dma_wait3A_205 = tpu.memref_squeeze %dma_wait3A_204 : memref<1x!tpu.dma_semaphore, #tpu.memory_space<semaphore_mem>> -> memref<!tpu.dma_semaphore, #tpu.memory_space<semaphore_mem>>
    %dma_wait3A_206 = arith.constant 0 : i32
    %dma_wait3A_207 = tpu.memref_slice %arg10[%dma_wait3A_197, %dma_wait3A_198, %dma_wait3A_206] : memref<6x1x80xi32, #tpu.memory_space<vmem>> -> memref<1x1x80xi32, #tpu.memory_space<vmem>>
    %dma_wait3A_208 = tpu.memref_squeeze %dma_wait3A_207 : memref<1x1x80xi32, #tpu.memory_space<vmem>> -> memref<80xi32, #tpu.memory_space<vmem>>
    %dma_wait3A_209 = tpu.memref_slice %arg5[%add3A_173] : memref<320000xi32, #tpu.memory_space<hbm>> -> memref<80xi32, #tpu.memory_space<hbm>>
    tpu.wait_dma2 semaphore(%dma_wait3A_205 : memref<!tpu.dma_semaphore, #tpu.memory_space<semaphore_mem>>) src(%dma_wait3A_209 : memref<80xi32, #tpu.memory_space<hbm>>) dst(%dma_wait3A_208 : memref<80xi32, #tpu.memory_space<vmem>>)
    %dma_start3A_210 = arith.constant 0 : i32
    %dma_start3A_211 = arith.constant 0 : i32
    %dma_start3A_212 = arith.constant 0 : i32
    %dma_start3A_213 = arith.constant 0 : i32
    %dma_start3A_214 = tpu.memref_slice %arg13[%dma_start3A_211, %dma_start3A_213] : memref<3x80xi32, #tpu.memory_space<vmem>> -> memref<1x80xi32, #tpu.memory_space<vmem>>
    %dma_start3A_215 = tpu.memref_squeeze %dma_start3A_214 : memref<1x80xi32, #tpu.memory_space<vmem>> -> memref<80xi32, #tpu.memory_space<vmem>>
    %dma_start3A_216 = arith.constant 0 : i32
    %dma_start3A_217 = tpu.memref_slice %arg11[%dma_start3A_210, %dma_start3A_216] : memref<4x80xi32, #tpu.memory_space<vmem>> -> memref<1x80xi32, #tpu.memory_space<vmem>>
    %dma_start3A_218 = tpu.memref_squeeze %dma_start3A_217 : memref<1x80xi32, #tpu.memory_space<vmem>> -> memref<80xi32, #tpu.memory_space<vmem>>
    %dma_start3A_219 = arith.constant 0 : i32
    %dma_start3A_220 = tpu.memref_slice %arg8[%dma_start3A_219] : memref<50000xi32, #tpu.memory_space<vmem_shared>> -> memref<50000xi32, #tpu.memory_space<vmem_shared>>
    %dma_start3A_221 = tpu.memref_slice %arg18[%dma_start3A_212] : memref<3x!tpu.dma_semaphore, #tpu.memory_space<semaphore_mem>> -> memref<1x!tpu.dma_semaphore, #tpu.memory_space<semaphore_mem>>
    %dma_start3A_222 = tpu.memref_squeeze %dma_start3A_221 : memref<1x!tpu.dma_semaphore, #tpu.memory_space<semaphore_mem>> -> memref<!tpu.dma_semaphore, #tpu.memory_space<semaphore_mem>>
    tpu.enqueue_indirect_dma source(%dma_start3A_220 : memref<50000xi32, #tpu.memory_space<vmem_shared>>) target(%dma_start3A_215 : memref<80xi32, #tpu.memory_space<vmem>>) offsets(%dma_start3A_218 : memref<80xi32, #tpu.memory_space<vmem>>) semaphore(%dma_start3A_222 : memref<!tpu.dma_semaphore, #tpu.memory_space<semaphore_mem>>)
    %dma_wait3A_223 = arith.constant 0 : i32
    %dma_wait3A_224 = arith.constant 0 : i32
    %dma_wait3A_225 = arith.constant 0 : i32
    %dma_wait3A_226 = arith.constant 0 : i32
    %dma_wait3A_227 = tpu.memref_slice %arg13[%dma_wait3A_224, %dma_wait3A_226] : memref<3x80xi32, #tpu.memory_space<vmem>> -> memref<1x80xi32, #tpu.memory_space<vmem>>
    %dma_wait3A_228 = tpu.memref_squeeze %dma_wait3A_227 : memref<1x80xi32, #tpu.memory_space<vmem>> -> memref<80xi32, #tpu.memory_space<vmem>>
    %dma_wait3A_229 = arith.constant 0 : i32
    %dma_wait3A_230 = tpu.memref_slice %arg11[%dma_wait3A_223, %dma_wait3A_229] : memref<4x80xi32, #tpu.memory_space<vmem>> -> memref<1x80xi32, #tpu.memory_space<vmem>>
    %dma_wait3A_231 = tpu.memref_squeeze %dma_wait3A_230 : memref<1x80xi32, #tpu.memory_space<vmem>> -> memref<80xi32, #tpu.memory_space<vmem>>
    %dma_wait3A_232 = arith.constant 0 : i32
    %dma_wait3A_233 = tpu.memref_slice %arg8[%dma_wait3A_232] : memref<50000xi32, #tpu.memory_space<vmem_shared>> -> memref<50000xi32, #tpu.memory_space<vmem_shared>>
    %dma_wait3A_234 = tpu.memref_slice %arg18[%dma_wait3A_225] : memref<3x!tpu.dma_semaphore, #tpu.memory_space<semaphore_mem>> -> memref<1x!tpu.dma_semaphore, #tpu.memory_space<semaphore_mem>>
    %dma_wait3A_235 = tpu.memref_squeeze %dma_wait3A_234 : memref<1x!tpu.dma_semaphore, #tpu.memory_space<semaphore_mem>> -> memref<!tpu.dma_semaphore, #tpu.memory_space<semaphore_mem>>
    tpu.wait_indirect_dma semaphore(%dma_wait3A_235 : memref<!tpu.dma_semaphore, #tpu.memory_space<semaphore_mem>>) src(%dma_wait3A_233 : memref<50000xi32, #tpu.memory_space<vmem_shared>>) dst(%dma_wait3A_228 : memref<80xi32, #tpu.memory_space<vmem>>)
    %dma_start3A_236 = arith.constant 0 : i32
    %dma_start3A_237 = arith.constant 0 : i32
    %dma_start3A_238 = arith.constant 0 : i32
    %dma_start3A_239 = arith.constant 0 : i32
    %dma_start3A_240 = arith.constant 0 : i32
    %dma_start3A_241 = tpu.memref_slice %arg14[%dma_start3A_237, %dma_start3A_239, %dma_start3A_240] : memref<3x80x128xf32, #tpu.memory_space<vmem>> -> memref<1x80x128xf32, #tpu.memory_space<vmem>>
    %dma_start3A_242 = tpu.memref_squeeze %dma_start3A_241 : memref<1x80x128xf32, #tpu.memory_space<vmem>> -> memref<80x128xf32, #tpu.memory_space<vmem>>
    %dma_start3A_243 = arith.constant 0 : i32
    %dma_start3A_244 = tpu.memref_slice %arg13[%dma_start3A_236, %dma_start3A_243] : memref<3x80xi32, #tpu.memory_space<vmem>> -> memref<1x80xi32, #tpu.memory_space<vmem>>
    %dma_start3A_245 = tpu.memref_squeeze %dma_start3A_244 : memref<1x80xi32, #tpu.memory_space<vmem>> -> memref<80xi32, #tpu.memory_space<vmem>>
    %dma_start3A_246 = arith.constant 0 : i32
    %dma_start3A_247 = arith.constant 0 : i32
    %dma_start3A_248 = tpu.memref_slice %arg2[%dma_start3A_246, %dma_start3A_247] : memref<50000x128xf32, #tpu.memory_space<hbm>> -> memref<50000x128xf32, #tpu.memory_space<hbm>>
    %dma_start3A_249 = tpu.memref_slice %arg19[%dma_start3A_238] : memref<3x!tpu.dma_semaphore, #tpu.memory_space<semaphore_mem>> -> memref<1x!tpu.dma_semaphore, #tpu.memory_space<semaphore_mem>>
    %dma_start3A_250 = tpu.memref_squeeze %dma_start3A_249 : memref<1x!tpu.dma_semaphore, #tpu.memory_space<semaphore_mem>> -> memref<!tpu.dma_semaphore, #tpu.memory_space<semaphore_mem>>
    tpu.enqueue_indirect_dma source(%dma_start3A_248 : memref<50000x128xf32, #tpu.memory_space<hbm>>) target(%dma_start3A_242 : memref<80x128xf32, #tpu.memory_space<vmem>>) offsets(%dma_start3A_245 : memref<80xi32, #tpu.memory_space<vmem>>) semaphore(%dma_start3A_250 : memref<!tpu.dma_semaphore, #tpu.memory_space<semaphore_mem>>)
    %mul3A_251 = arith.constant 10000 : i32
    %mul3A_252 = arith.muli %add3A, %mul3A_251 : i32
    %add3A_253 = arith.constant 80 : i32
    %add3A_254 = arith.addi %mul3A_252, %add3A_253 : i32
    %dma_wait3A_255 = arith.constant 1 : i32
    %dma_wait3A_256 = arith.constant 1 : i32
    %dma_wait3A_257 = arith.constant 0 : i32
    %dma_wait3A_258 = tpu.memref_slice %arg11[%dma_wait3A_255, %dma_wait3A_257] : memref<4x80xi32, #tpu.memory_space<vmem>> -> memref<1x80xi32, #tpu.memory_space<vmem>>
    %dma_wait3A_259 = tpu.memref_squeeze %dma_wait3A_258 : memref<1x80xi32, #tpu.memory_space<vmem>> -> memref<80xi32, #tpu.memory_space<vmem>>
    %dma_wait3A_260 = tpu.memref_slice %arg4[%add3A_254] : memref<320000xi32, #tpu.memory_space<hbm>> -> memref<80xi32, #tpu.memory_space<hbm>>
    %dma_wait3A_261 = tpu.memref_slice %arg15[%dma_wait3A_256] : memref<4x!tpu.dma_semaphore, #tpu.memory_space<semaphore_mem>> -> memref<1x!tpu.dma_semaphore, #tpu.memory_space<semaphore_mem>>
    %dma_wait3A_262 = tpu.memref_squeeze %dma_wait3A_261 : memref<1x!tpu.dma_semaphore, #tpu.memory_space<semaphore_mem>> -> memref<!tpu.dma_semaphore, #tpu.memory_space<semaphore_mem>>
    %dma_wait3A_263 = arith.constant 0 : i32
    %dma_wait3A_264 = tpu.memref_slice %arg11[%dma_wait3A_255, %dma_wait3A_263] : memref<4x80xi32, #tpu.memory_space<vmem>> -> memref<1x80xi32, #tpu.memory_space<vmem>>
    %dma_wait3A_265 = tpu.memref_squeeze %dma_wait3A_264 : memref<1x80xi32, #tpu.memory_space<vmem>> -> memref<80xi32, #tpu.memory_space<vmem>>
    %dma_wait3A_266 = tpu.memref_slice %arg4[%add3A_254] : memref<320000xi32, #tpu.memory_space<hbm>> -> memref<80xi32, #tpu.memory_space<hbm>>
    tpu.wait_dma2 semaphore(%dma_wait3A_262 : memref<!tpu.dma_semaphore, #tpu.memory_space<semaphore_mem>>) src(%dma_wait3A_266 : memref<80xi32, #tpu.memory_space<hbm>>) dst(%dma_wait3A_265 : memref<80xi32, #tpu.memory_space<vmem>>)
    %dma_wait3A_267 = arith.constant 1 : i32
    %dma_wait3A_268 = arith.constant 1 : i32
    %dma_wait3A_269 = arith.constant 0 : i32
    %dma_wait3A_270 = tpu.memref_slice %arg12[%dma_wait3A_267, %dma_wait3A_269] : memref<4x80xf32, #tpu.memory_space<vmem>> -> memref<1x80xf32, #tpu.memory_space<vmem>>
    %dma_wait3A_271 = tpu.memref_squeeze %dma_wait3A_270 : memref<1x80xf32, #tpu.memory_space<vmem>> -> memref<80xf32, #tpu.memory_space<vmem>>
    %dma_wait3A_272 = tpu.memref_slice %arg6[%add3A_254] : memref<320000xf32, #tpu.memory_space<hbm>> -> memref<80xf32, #tpu.memory_space<hbm>>
    %dma_wait3A_273 = tpu.memref_slice %arg16[%dma_wait3A_268] : memref<4x!tpu.dma_semaphore, #tpu.memory_space<semaphore_mem>> -> memref<1x!tpu.dma_semaphore, #tpu.memory_space<semaphore_mem>>
    %dma_wait3A_274 = tpu.memref_squeeze %dma_wait3A_273 : memref<1x!tpu.dma_semaphore, #tpu.memory_space<semaphore_mem>> -> memref<!tpu.dma_semaphore, #tpu.memory_space<semaphore_mem>>
    %dma_wait3A_275 = arith.constant 0 : i32
    %dma_wait3A_276 = tpu.memref_slice %arg12[%dma_wait3A_267, %dma_wait3A_275] : memref<4x80xf32, #tpu.memory_space<vmem>> -> memref<1x80xf32, #tpu.memory_space<vmem>>
    %dma_wait3A_277 = tpu.memref_squeeze %dma_wait3A_276 : memref<1x80xf32, #tpu.memory_space<vmem>> -> memref<80xf32, #tpu.memory_space<vmem>>
    %dma_wait3A_278 = tpu.memref_slice %arg6[%add3A_254] : memref<320000xf32, #tpu.memory_space<hbm>> -> memref<80xf32, #tpu.memory_space<hbm>>
    tpu.wait_dma2 semaphore(%dma_wait3A_274 : memref<!tpu.dma_semaphore, #tpu.memory_space<semaphore_mem>>) src(%dma_wait3A_278 : memref<80xf32, #tpu.memory_space<hbm>>) dst(%dma_wait3A_277 : memref<80xf32, #tpu.memory_space<vmem>>)
    %dma_wait3A_279 = arith.constant 1 : i32
    %dma_wait3A_280 = arith.constant 0 : i32
    %dma_wait3A_281 = arith.constant 1 : i32
    %dma_wait3A_282 = arith.constant 0 : i32
    %dma_wait3A_283 = tpu.memref_slice %arg10[%dma_wait3A_279, %dma_wait3A_280, %dma_wait3A_282] : memref<6x1x80xi32, #tpu.memory_space<vmem>> -> memref<1x1x80xi32, #tpu.memory_space<vmem>>
    %dma_wait3A_284 = tpu.memref_squeeze %dma_wait3A_283 : memref<1x1x80xi32, #tpu.memory_space<vmem>> -> memref<80xi32, #tpu.memory_space<vmem>>
    %dma_wait3A_285 = tpu.memref_slice %arg5[%add3A_254] : memref<320000xi32, #tpu.memory_space<hbm>> -> memref<80xi32, #tpu.memory_space<hbm>>
    %dma_wait3A_286 = tpu.memref_slice %arg17[%dma_wait3A_281] : memref<6x!tpu.dma_semaphore, #tpu.memory_space<semaphore_mem>> -> memref<1x!tpu.dma_semaphore, #tpu.memory_space<semaphore_mem>>
    %dma_wait3A_287 = tpu.memref_squeeze %dma_wait3A_286 : memref<1x!tpu.dma_semaphore, #tpu.memory_space<semaphore_mem>> -> memref<!tpu.dma_semaphore, #tpu.memory_space<semaphore_mem>>
    %dma_wait3A_288 = arith.constant 0 : i32
    %dma_wait3A_289 = tpu.memref_slice %arg10[%dma_wait3A_279, %dma_wait3A_280, %dma_wait3A_288] : memref<6x1x80xi32, #tpu.memory_space<vmem>> -> memref<1x1x80xi32, #tpu.memory_space<vmem>>
    %dma_wait3A_290 = tpu.memref_squeeze %dma_wait3A_289 : memref<1x1x80xi32, #tpu.memory_space<vmem>> -> memref<80xi32, #tpu.memory_space<vmem>>
    %dma_wait3A_291 = tpu.memref_slice %arg5[%add3A_254] : memref<320000xi32, #tpu.memory_space<hbm>> -> memref<80xi32, #tpu.memory_space<hbm>>
    tpu.wait_dma2 semaphore(%dma_wait3A_287 : memref<!tpu.dma_semaphore, #tpu.memory_space<semaphore_mem>>) src(%dma_wait3A_291 : memref<80xi32, #tpu.memory_space<hbm>>) dst(%dma_wait3A_290 : memref<80xi32, #tpu.memory_space<vmem>>)
    %dma_start3A_292 = arith.constant 1 : i32
    %dma_start3A_293 = arith.constant 1 : i32
    %dma_start3A_294 = arith.constant 1 : i32
    %dma_start3A_295 = arith.constant 0 : i32
    %dma_start3A_296 = tpu.memref_slice %arg13[%dma_start3A_293, %dma_start3A_295] : memref<3x80xi32, #tpu.memory_space<vmem>> -> memref<1x80xi32, #tpu.memory_space<vmem>>
    %dma_start3A_297 = tpu.memref_squeeze %dma_start3A_296 : memref<1x80xi32, #tpu.memory_space<vmem>> -> memref<80xi32, #tpu.memory_space<vmem>>
    %dma_start3A_298 = arith.constant 0 : i32
    %dma_start3A_299 = tpu.memref_slice %arg11[%dma_start3A_292, %dma_start3A_298] : memref<4x80xi32, #tpu.memory_space<vmem>> -> memref<1x80xi32, #tpu.memory_space<vmem>>
    %dma_start3A_300 = tpu.memref_squeeze %dma_start3A_299 : memref<1x80xi32, #tpu.memory_space<vmem>> -> memref<80xi32, #tpu.memory_space<vmem>>
    %dma_start3A_301 = arith.constant 0 : i32
    %dma_start3A_302 = tpu.memref_slice %arg8[%dma_start3A_301] : memref<50000xi32, #tpu.memory_space<vmem_shared>> -> memref<50000xi32, #tpu.memory_space<vmem_shared>>
    %dma_start3A_303 = tpu.memref_slice %arg18[%dma_start3A_294] : memref<3x!tpu.dma_semaphore, #tpu.memory_space<semaphore_mem>> -> memref<1x!tpu.dma_semaphore, #tpu.memory_space<semaphore_mem>>
    %dma_start3A_304 = tpu.memref_squeeze %dma_start3A_303 : memref<1x!tpu.dma_semaphore, #tpu.memory_space<semaphore_mem>> -> memref<!tpu.dma_semaphore, #tpu.memory_space<semaphore_mem>>
    tpu.enqueue_indirect_dma source(%dma_start3A_302 : memref<50000xi32, #tpu.memory_space<vmem_shared>>) target(%dma_start3A_297 : memref<80xi32, #tpu.memory_space<vmem>>) offsets(%dma_start3A_300 : memref<80xi32, #tpu.memory_space<vmem>>) semaphore(%dma_start3A_304 : memref<!tpu.dma_semaphore, #tpu.memory_space<semaphore_mem>>)
    %scan3A_305 = arith.constant 0 : i32
    %scan3A_306 = arith.constant 0 : i32
    %scan3A_307 = arith.constant 125 : i32
    %scan3A_308 = arith.addi %scan3A_306, %scan3A_307 : i32
    %scan3A_309 = arith.constant 1 : i32
    %scan3A_310 = scf.for %scan3A_377 = %scan3A_306 to %scan3A_308 step %scan3A_309 iter_args(%scan3A_378 = %scan3A_305) -> (i32)  : i32 {
      %add3A_379 = arith.constant 3 : i32
      %add3A_380 = arith.addi %scan3A_377, %add3A_379 : i32
      %lt3A = arith.constant 125 : i32
      %lt3A_381 = arith.cmpi slt, %add3A_380, %lt3A : i32
      %convert_element_type3A_382 = arith.extui %lt3A_381 : i1 to i32
      %cond3A_383 = arith.constant 0 : i32
      %cond3A_384 = arith.cmpi ne, %convert_element_type3A_382, %cond3A_383 : i32
      scf.if %cond3A_384 {
        %add3A_539 = arith.constant 3 : i32
        %add3A_540 = arith.addi %scan3A_377, %add3A_539 : i32
        %mul3A_541 = arith.constant 10000 : i32
        %mul3A_542 = arith.muli %add3A, %mul3A_541 : i32
        %mul3A_543 = arith.constant 80 : i32
        %mul3A_544 = arith.muli %add3A_540, %mul3A_543 : i32
        %add3A_545 = arith.addi %mul3A_542, %mul3A_544 : i32
        %jit3A_546 = arith.constant 4 : i32
        %eq3A_547 = arith.constant 0 : i32
        %eq3A_548 = arith.cmpi eq, %jit3A_546, %eq3A_547 : i32
        %jit3A_549 = arith.constant 1 : i32
        %select_n3A_550 = arith.select %eq3A_548, %jit3A_549, %jit3A_546 : i32
        %rem3A_551 = arith.remsi %add3A_540, %select_n3A_550 : i32
        %ne3A_552 = arith.constant 0 : i32
        %ne3A_553 = arith.cmpi ne, %rem3A_551, %ne3A_552 : i32
        %lt3A_554 = arith.constant 0 : i32
        %lt3A_555 = arith.cmpi slt, %rem3A_551, %lt3A_554 : i32
        %lt3A_556 = arith.constant 0 : i32
        %lt3A_557 = arith.cmpi slt, %select_n3A_550, %lt3A_556 : i32
        %ne3A_558 = arith.xori %lt3A_555, %lt3A_557 : i1
        %and3A_559 = arith.andi %ne3A_558, %ne3A_553 : i1
        %add3A_560 = arith.addi %rem3A_551, %select_n3A_550 : i32
        %select_n3A_561 = arith.select %and3A_559, %add3A_560, %rem3A_551 : i32
        %dma_start3A_562 = arith.constant 0 : i32
        %dma_start3A_563 = tpu.memref_slice %arg11[%select_n3A_561, %dma_start3A_562] : memref<4x80xi32, #tpu.memory_space<vmem>> -> memref<1x80xi32, #tpu.memory_space<vmem>>
        %dma_start3A_564 = tpu.memref_squeeze %dma_start3A_563 : memref<1x80xi32, #tpu.memory_space<vmem>> -> memref<80xi32, #tpu.memory_space<vmem>>
        %dma_start3A_565 = tpu.memref_slice %arg4[%add3A_545] : memref<320000xi32, #tpu.memory_space<hbm>> -> memref<80xi32, #tpu.memory_space<hbm>>
        %dma_start3A_566 = tpu.memref_slice %arg15[%select_n3A_561] : memref<4x!tpu.dma_semaphore, #tpu.memory_space<semaphore_mem>> -> memref<1x!tpu.dma_semaphore, #tpu.memory_space<semaphore_mem>>
        %dma_start3A_567 = tpu.memref_squeeze %dma_start3A_566 : memref<1x!tpu.dma_semaphore, #tpu.memory_space<semaphore_mem>> -> memref<!tpu.dma_semaphore, #tpu.memory_space<semaphore_mem>>
        %dma_start3A_568 = arith.constant 0 : i32
        %dma_start3A_569 = tpu.memref_slice %arg11[%select_n3A_561, %dma_start3A_568] : memref<4x80xi32, #tpu.memory_space<vmem>> -> memref<1x80xi32, #tpu.memory_space<vmem>>
        %dma_start3A_570 = tpu.memref_squeeze %dma_start3A_569 : memref<1x80xi32, #tpu.memory_space<vmem>> -> memref<80xi32, #tpu.memory_space<vmem>>
        %dma_start3A_571 = tpu.memref_slice %arg4[%add3A_545] : memref<320000xi32, #tpu.memory_space<hbm>> -> memref<80xi32, #tpu.memory_space<hbm>>
        tpu.enqueue_dma source(%dma_start3A_571 : memref<80xi32, #tpu.memory_space<hbm>>) target(%dma_start3A_570 : memref<80xi32, #tpu.memory_space<vmem>>) target_semaphore(%dma_start3A_567 : memref<!tpu.dma_semaphore, #tpu.memory_space<semaphore_mem>>)
        %dma_start3A_572 = arith.constant 0 : i32
        %dma_start3A_573 = tpu.memref_slice %arg12[%select_n3A_561, %dma_start3A_572] : memref<4x80xf32, #tpu.memory_space<vmem>> -> memref<1x80xf32, #tpu.memory_space<vmem>>
        %dma_start3A_574 = tpu.memref_squeeze %dma_start3A_573 : memref<1x80xf32, #tpu.memory_space<vmem>> -> memref<80xf32, #tpu.memory_space<vmem>>
        %dma_start3A_575 = tpu.memref_slice %arg6[%add3A_545] : memref<320000xf32, #tpu.memory_space<hbm>> -> memref<80xf32, #tpu.memory_space<hbm>>
        %dma_start3A_576 = tpu.memref_slice %arg16[%select_n3A_561] : memref<4x!tpu.dma_semaphore, #tpu.memory_space<semaphore_mem>> -> memref<1x!tpu.dma_semaphore, #tpu.memory_space<semaphore_mem>>
        %dma_start3A_577 = tpu.memref_squeeze %dma_start3A_576 : memref<1x!tpu.dma_semaphore, #tpu.memory_space<semaphore_mem>> -> memref<!tpu.dma_semaphore, #tpu.memory_space<semaphore_mem>>
        %dma_start3A_578 = arith.constant 0 : i32
        %dma_start3A_579 = tpu.memref_slice %arg12[%select_n3A_561, %dma_start3A_578] : memref<4x80xf32, #tpu.memory_space<vmem>> -> memref<1x80xf32, #tpu.memory_space<vmem>>
        %dma_start3A_580 = tpu.memref_squeeze %dma_start3A_579 : memref<1x80xf32, #tpu.memory_space<vmem>> -> memref<80xf32, #tpu.memory_space<vmem>>
        %dma_start3A_581 = tpu.memref_slice %arg6[%add3A_545] : memref<320000xf32, #tpu.memory_space<hbm>> -> memref<80xf32, #tpu.memory_space<hbm>>
        tpu.enqueue_dma source(%dma_start3A_581 : memref<80xf32, #tpu.memory_space<hbm>>) target(%dma_start3A_580 : memref<80xf32, #tpu.memory_space<vmem>>) target_semaphore(%dma_start3A_577 : memref<!tpu.dma_semaphore, #tpu.memory_space<semaphore_mem>>)
        %jit3A_582 = arith.constant 6 : i32
        %eq3A_583 = arith.constant 0 : i32
        %eq3A_584 = arith.cmpi eq, %jit3A_582, %eq3A_583 : i32
        %jit3A_585 = arith.constant 1 : i32
        %select_n3A_586 = arith.select %eq3A_584, %jit3A_585, %jit3A_582 : i32
        %rem3A_587 = arith.remsi %add3A_540, %select_n3A_586 : i32
        %ne3A_588 = arith.constant 0 : i32
        %ne3A_589 = arith.cmpi ne, %rem3A_587, %ne3A_588 : i32
        %lt3A_590 = arith.constant 0 : i32
        %lt3A_591 = arith.cmpi slt, %rem3A_587, %lt3A_590 : i32
        %lt3A_592 = arith.constant 0 : i32
        %lt3A_593 = arith.cmpi slt, %select_n3A_586, %lt3A_592 : i32
        %ne3A_594 = arith.xori %lt3A_591, %lt3A_593 : i1
        %and3A_595 = arith.andi %ne3A_594, %ne3A_589 : i1
        %add3A_596 = arith.addi %rem3A_587, %select_n3A_586 : i32
        %select_n3A_597 = arith.select %and3A_595, %add3A_596, %rem3A_587 : i32
        %jit3A_598 = arith.constant 6 : i32
        %eq3A_599 = arith.constant 0 : i32
        %eq3A_600 = arith.cmpi eq, %jit3A_598, %eq3A_599 : i32
        %jit3A_601 = arith.constant 1 : i32
        %select_n3A_602 = arith.select %eq3A_600, %jit3A_601, %jit3A_598 : i32
        %rem3A_603 = arith.remsi %add3A_540, %select_n3A_602 : i32
        %ne3A_604 = arith.constant 0 : i32
        %ne3A_605 = arith.cmpi ne, %rem3A_603, %ne3A_604 : i32
        %lt3A_606 = arith.constant 0 : i32
        %lt3A_607 = arith.cmpi slt, %rem3A_603, %lt3A_606 : i32
        %lt3A_608 = arith.constant 0 : i32
        %lt3A_609 = arith.cmpi slt, %select_n3A_602, %lt3A_608 : i32
        %ne3A_610 = arith.xori %lt3A_607, %lt3A_609 : i1
        %and3A_611 = arith.andi %ne3A_610, %ne3A_605 : i1
        %add3A_612 = arith.addi %rem3A_603, %select_n3A_602 : i32
        %select_n3A_613 = arith.select %and3A_611, %add3A_612, %rem3A_603 : i32
        %dma_start3A_614 = arith.constant 0 : i32
        %dma_start3A_615 = arith.constant 0 : i32
        %dma_start3A_616 = tpu.memref_slice %arg10[%select_n3A_597, %dma_start3A_614, %dma_start3A_615] : memref<6x1x80xi32, #tpu.memory_space<vmem>> -> memref<1x1x80xi32, #tpu.memory_space<vmem>>
        %dma_start3A_617 = tpu.memref_squeeze %dma_start3A_616 : memref<1x1x80xi32, #tpu.memory_space<vmem>> -> memref<80xi32, #tpu.memory_space<vmem>>
        %dma_start3A_618 = tpu.memref_slice %arg5[%add3A_545] : memref<320000xi32, #tpu.memory_space<hbm>> -> memref<80xi32, #tpu.memory_space<hbm>>
        %dma_start3A_619 = tpu.memref_slice %arg17[%select_n3A_613] : memref<6x!tpu.dma_semaphore, #tpu.memory_space<semaphore_mem>> -> memref<1x!tpu.dma_semaphore, #tpu.memory_space<semaphore_mem>>
        %dma_start3A_620 = tpu.memref_squeeze %dma_start3A_619 : memref<1x!tpu.dma_semaphore, #tpu.memory_space<semaphore_mem>> -> memref<!tpu.dma_semaphore, #tpu.memory_space<semaphore_mem>>
        %dma_start3A_621 = arith.constant 0 : i32
        %dma_start3A_622 = tpu.memref_slice %arg10[%select_n3A_597, %dma_start3A_614, %dma_start3A_621] : memref<6x1x80xi32, #tpu.memory_space<vmem>> -> memref<1x1x80xi32, #tpu.memory_space<vmem>>
        %dma_start3A_623 = tpu.memref_squeeze %dma_start3A_622 : memref<1x1x80xi32, #tpu.memory_space<vmem>> -> memref<80xi32, #tpu.memory_space<vmem>>
        %dma_start3A_624 = tpu.memref_slice %arg5[%add3A_545] : memref<320000xi32, #tpu.memory_space<hbm>> -> memref<80xi32, #tpu.memory_space<hbm>>
        tpu.enqueue_dma source(%dma_start3A_624 : memref<80xi32, #tpu.memory_space<hbm>>) target(%dma_start3A_623 : memref<80xi32, #tpu.memory_space<vmem>>) target_semaphore(%dma_start3A_620 : memref<!tpu.dma_semaphore, #tpu.memory_space<semaphore_mem>>)
      } else {
      }
      %add3A_385 = arith.constant 2 : i32
      %add3A_386 = arith.addi %scan3A_377, %add3A_385 : i32
      %lt3A_387 = arith.constant 125 : i32
      %lt3A_388 = arith.cmpi slt, %add3A_386, %lt3A_387 : i32
      %convert_element_type3A_389 = arith.extui %lt3A_388 : i1 to i32
      %cond3A_390 = arith.constant 0 : i32
      %cond3A_391 = arith.cmpi ne, %convert_element_type3A_389, %cond3A_390 : i32
      scf.if %cond3A_391 {
        %add3A_539 = arith.constant 2 : i32
        %add3A_540 = arith.addi %scan3A_377, %add3A_539 : i32
        %jit3A_541 = arith.constant 4 : i32
        %eq3A_542 = arith.constant 0 : i32
        %eq3A_543 = arith.cmpi eq, %jit3A_541, %eq3A_542 : i32
        %jit3A_544 = arith.constant 1 : i32
        %select_n3A_545 = arith.select %eq3A_543, %jit3A_544, %jit3A_541 : i32
        %rem3A_546 = arith.remsi %add3A_540, %select_n3A_545 : i32
        %ne3A_547 = arith.constant 0 : i32
        %ne3A_548 = arith.cmpi ne, %rem3A_546, %ne3A_547 : i32
        %lt3A_549 = arith.constant 0 : i32
        %lt3A_550 = arith.cmpi slt, %rem3A_546, %lt3A_549 : i32
        %lt3A_551 = arith.constant 0 : i32
        %lt3A_552 = arith.cmpi slt, %select_n3A_545, %lt3A_551 : i32
        %ne3A_553 = arith.xori %lt3A_550, %lt3A_552 : i1
        %and3A_554 = arith.andi %ne3A_553, %ne3A_548 : i1
        %add3A_555 = arith.addi %rem3A_546, %select_n3A_545 : i32
        %select_n3A_556 = arith.select %and3A_554, %add3A_555, %rem3A_546 : i32
        %mul3A_557 = arith.constant 10000 : i32
        %mul3A_558 = arith.muli %add3A, %mul3A_557 : i32
        %mul3A_559 = arith.constant 80 : i32
        %mul3A_560 = arith.muli %add3A_540, %mul3A_559 : i32
        %add3A_561 = arith.addi %mul3A_558, %mul3A_560 : i32
        %dma_wait3A_562 = arith.constant 0 : i32
        %dma_wait3A_563 = tpu.memref_slice %arg11[%select_n3A_556, %dma_wait3A_562] : memref<4x80xi32, #tpu.memory_space<vmem>> -> memref<1x80xi32, #tpu.memory_space<vmem>>
        %dma_wait3A_564 = tpu.memref_squeeze %dma_wait3A_563 : memref<1x80xi32, #tpu.memory_space<vmem>> -> memref<80xi32, #tpu.memory_space<vmem>>
        %dma_wait3A_565 = tpu.memref_slice %arg4[%add3A_561] : memref<320000xi32, #tpu.memory_space<hbm>> -> memref<80xi32, #tpu.memory_space<hbm>>
        %dma_wait3A_566 = tpu.memref_slice %arg15[%select_n3A_556] : memref<4x!tpu.dma_semaphore, #tpu.memory_space<semaphore_mem>> -> memref<1x!tpu.dma_semaphore, #tpu.memory_space<semaphore_mem>>
        %dma_wait3A_567 = tpu.memref_squeeze %dma_wait3A_566 : memref<1x!tpu.dma_semaphore, #tpu.memory_space<semaphore_mem>> -> memref<!tpu.dma_semaphore, #tpu.memory_space<semaphore_mem>>
        %dma_wait3A_568 = arith.constant 0 : i32
        %dma_wait3A_569 = tpu.memref_slice %arg11[%select_n3A_556, %dma_wait3A_568] : memref<4x80xi32, #tpu.memory_space<vmem>> -> memref<1x80xi32, #tpu.memory_space<vmem>>
        %dma_wait3A_570 = tpu.memref_squeeze %dma_wait3A_569 : memref<1x80xi32, #tpu.memory_space<vmem>> -> memref<80xi32, #tpu.memory_space<vmem>>
        %dma_wait3A_571 = tpu.memref_slice %arg4[%add3A_561] : memref<320000xi32, #tpu.memory_space<hbm>> -> memref<80xi32, #tpu.memory_space<hbm>>
        tpu.wait_dma2 semaphore(%dma_wait3A_567 : memref<!tpu.dma_semaphore, #tpu.memory_space<semaphore_mem>>) src(%dma_wait3A_571 : memref<80xi32, #tpu.memory_space<hbm>>) dst(%dma_wait3A_570 : memref<80xi32, #tpu.memory_space<vmem>>)
        %dma_wait3A_572 = arith.constant 0 : i32
        %dma_wait3A_573 = tpu.memref_slice %arg12[%select_n3A_556, %dma_wait3A_572] : memref<4x80xf32, #tpu.memory_space<vmem>> -> memref<1x80xf32, #tpu.memory_space<vmem>>
        %dma_wait3A_574 = tpu.memref_squeeze %dma_wait3A_573 : memref<1x80xf32, #tpu.memory_space<vmem>> -> memref<80xf32, #tpu.memory_space<vmem>>
        %dma_wait3A_575 = tpu.memref_slice %arg6[%add3A_561] : memref<320000xf32, #tpu.memory_space<hbm>> -> memref<80xf32, #tpu.memory_space<hbm>>
        %dma_wait3A_576 = tpu.memref_slice %arg16[%select_n3A_556] : memref<4x!tpu.dma_semaphore, #tpu.memory_space<semaphore_mem>> -> memref<1x!tpu.dma_semaphore, #tpu.memory_space<semaphore_mem>>
        %dma_wait3A_577 = tpu.memref_squeeze %dma_wait3A_576 : memref<1x!tpu.dma_semaphore, #tpu.memory_space<semaphore_mem>> -> memref<!tpu.dma_semaphore, #tpu.memory_space<semaphore_mem>>
        %dma_wait3A_578 = arith.constant 0 : i32
        %dma_wait3A_579 = tpu.memref_slice %arg12[%select_n3A_556, %dma_wait3A_578] : memref<4x80xf32, #tpu.memory_space<vmem>> -> memref<1x80xf32, #tpu.memory_space<vmem>>
        %dma_wait3A_580 = tpu.memref_squeeze %dma_wait3A_579 : memref<1x80xf32, #tpu.memory_space<vmem>> -> memref<80xf32, #tpu.memory_space<vmem>>
        %dma_wait3A_581 = tpu.memref_slice %arg6[%add3A_561] : memref<320000xf32, #tpu.memory_space<hbm>> -> memref<80xf32, #tpu.memory_space<hbm>>
        tpu.wait_dma2 semaphore(%dma_wait3A_577 : memref<!tpu.dma_semaphore, #tpu.memory_space<semaphore_mem>>) src(%dma_wait3A_581 : memref<80xf32, #tpu.memory_space<hbm>>) dst(%dma_wait3A_580 : memref<80xf32, #tpu.memory_space<vmem>>)
        %jit3A_582 = arith.constant 6 : i32
        %eq3A_583 = arith.constant 0 : i32
        %eq3A_584 = arith.cmpi eq, %jit3A_582, %eq3A_583 : i32
        %jit3A_585 = arith.constant 1 : i32
        %select_n3A_586 = arith.select %eq3A_584, %jit3A_585, %jit3A_582 : i32
        %rem3A_587 = arith.remsi %add3A_540, %select_n3A_586 : i32
        %ne3A_588 = arith.constant 0 : i32
        %ne3A_589 = arith.cmpi ne, %rem3A_587, %ne3A_588 : i32
        %lt3A_590 = arith.constant 0 : i32
        %lt3A_591 = arith.cmpi slt, %rem3A_587, %lt3A_590 : i32
        %lt3A_592 = arith.constant 0 : i32
        %lt3A_593 = arith.cmpi slt, %select_n3A_586, %lt3A_592 : i32
        %ne3A_594 = arith.xori %lt3A_591, %lt3A_593 : i1
        %and3A_595 = arith.andi %ne3A_594, %ne3A_589 : i1
        %add3A_596 = arith.addi %rem3A_587, %select_n3A_586 : i32
        %select_n3A_597 = arith.select %and3A_595, %add3A_596, %rem3A_587 : i32
        %jit3A_598 = arith.constant 6 : i32
        %eq3A_599 = arith.constant 0 : i32
        %eq3A_600 = arith.cmpi eq, %jit3A_598, %eq3A_599 : i32
        %jit3A_601 = arith.constant 1 : i32
        %select_n3A_602 = arith.select %eq3A_600, %jit3A_601, %jit3A_598 : i32
        %rem3A_603 = arith.remsi %add3A_540, %select_n3A_602 : i32
        %ne3A_604 = arith.constant 0 : i32
        %ne3A_605 = arith.cmpi ne, %rem3A_603, %ne3A_604 : i32
        %lt3A_606 = arith.constant 0 : i32
        %lt3A_607 = arith.cmpi slt, %rem3A_603, %lt3A_606 : i32
        %lt3A_608 = arith.constant 0 : i32
        %lt3A_609 = arith.cmpi slt, %select_n3A_602, %lt3A_608 : i32
        %ne3A_610 = arith.xori %lt3A_607, %lt3A_609 : i1
        %and3A_611 = arith.andi %ne3A_610, %ne3A_605 : i1
        %add3A_612 = arith.addi %rem3A_603, %select_n3A_602 : i32
        %select_n3A_613 = arith.select %and3A_611, %add3A_612, %rem3A_603 : i32
        %dma_wait3A_614 = arith.constant 0 : i32
        %dma_wait3A_615 = arith.constant 0 : i32
        %dma_wait3A_616 = tpu.memref_slice %arg10[%select_n3A_597, %dma_wait3A_614, %dma_wait3A_615] : memref<6x1x80xi32, #tpu.memory_space<vmem>> -> memref<1x1x80xi32, #tpu.memory_space<vmem>>
        %dma_wait3A_617 = tpu.memref_squeeze %dma_wait3A_616 : memref<1x1x80xi32, #tpu.memory_space<vmem>> -> memref<80xi32, #tpu.memory_space<vmem>>
        %dma_wait3A_618 = tpu.memref_slice %arg5[%add3A_561] : memref<320000xi32, #tpu.memory_space<hbm>> -> memref<80xi32, #tpu.memory_space<hbm>>
        %dma_wait3A_619 = tpu.memref_slice %arg17[%select_n3A_613] : memref<6x!tpu.dma_semaphore, #tpu.memory_space<semaphore_mem>> -> memref<1x!tpu.dma_semaphore, #tpu.memory_space<semaphore_mem>>
        %dma_wait3A_620 = tpu.memref_squeeze %dma_wait3A_619 : memref<1x!tpu.dma_semaphore, #tpu.memory_space<semaphore_mem>> -> memref<!tpu.dma_semaphore, #tpu.memory_space<semaphore_mem>>
        %dma_wait3A_621 = arith.constant 0 : i32
        %dma_wait3A_622 = tpu.memref_slice %arg10[%select_n3A_597, %dma_wait3A_614, %dma_wait3A_621] : memref<6x1x80xi32, #tpu.memory_space<vmem>> -> memref<1x1x80xi32, #tpu.memory_space<vmem>>
        %dma_wait3A_623 = tpu.memref_squeeze %dma_wait3A_622 : memref<1x1x80xi32, #tpu.memory_space<vmem>> -> memref<80xi32, #tpu.memory_space<vmem>>
        %dma_wait3A_624 = tpu.memref_slice %arg5[%add3A_561] : memref<320000xi32, #tpu.memory_space<hbm>> -> memref<80xi32, #tpu.memory_space<hbm>>
        tpu.wait_dma2 semaphore(%dma_wait3A_620 : memref<!tpu.dma_semaphore, #tpu.memory_space<semaphore_mem>>) src(%dma_wait3A_624 : memref<80xi32, #tpu.memory_space<hbm>>) dst(%dma_wait3A_623 : memref<80xi32, #tpu.memory_space<vmem>>)
        %add3A_625 = arith.constant 2 : i32
        %add3A_626 = arith.addi %scan3A_377, %add3A_625 : i32
        %jit3A_627 = arith.constant 4 : i32
        %eq3A_628 = arith.constant 0 : i32
        %eq3A_629 = arith.cmpi eq, %jit3A_627, %eq3A_628 : i32
        %jit3A_630 = arith.constant 1 : i32
        %select_n3A_631 = arith.select %eq3A_629, %jit3A_630, %jit3A_627 : i32
        %rem3A_632 = arith.remsi %add3A_626, %select_n3A_631 : i32
        %ne3A_633 = arith.constant 0 : i32
        %ne3A_634 = arith.cmpi ne, %rem3A_632, %ne3A_633 : i32
        %lt3A_635 = arith.constant 0 : i32
        %lt3A_636 = arith.cmpi slt, %rem3A_632, %lt3A_635 : i32
        %lt3A_637 = arith.constant 0 : i32
        %lt3A_638 = arith.cmpi slt, %select_n3A_631, %lt3A_637 : i32
        %ne3A_639 = arith.xori %lt3A_636, %lt3A_638 : i1
        %and3A_640 = arith.andi %ne3A_639, %ne3A_634 : i1
        %add3A_641 = arith.addi %rem3A_632, %select_n3A_631 : i32
        %select_n3A_642 = arith.select %and3A_640, %add3A_641, %rem3A_632 : i32
        %jit3A_643 = arith.constant 3 : i32
        %eq3A_644 = arith.constant 0 : i32
        %eq3A_645 = arith.cmpi eq, %jit3A_643, %eq3A_644 : i32
        %jit3A_646 = arith.constant 1 : i32
        %select_n3A_647 = arith.select %eq3A_645, %jit3A_646, %jit3A_643 : i32
        %rem3A_648 = arith.remsi %add3A_626, %select_n3A_647 : i32
        %ne3A_649 = arith.constant 0 : i32
        %ne3A_650 = arith.cmpi ne, %rem3A_648, %ne3A_649 : i32
        %lt3A_651 = arith.constant 0 : i32
        %lt3A_652 = arith.cmpi slt, %rem3A_648, %lt3A_651 : i32
        %lt3A_653 = arith.constant 0 : i32
        %lt3A_654 = arith.cmpi slt, %select_n3A_647, %lt3A_653 : i32
        %ne3A_655 = arith.xori %lt3A_652, %lt3A_654 : i1
        %and3A_656 = arith.andi %ne3A_655, %ne3A_650 : i1
        %add3A_657 = arith.addi %rem3A_648, %select_n3A_647 : i32
        %select_n3A_658 = arith.select %and3A_656, %add3A_657, %rem3A_648 : i32
        %jit3A_659 = arith.constant 3 : i32
        %eq3A_660 = arith.constant 0 : i32
        %eq3A_661 = arith.cmpi eq, %jit3A_659, %eq3A_660 : i32
        %jit3A_662 = arith.constant 1 : i32
        %select_n3A_663 = arith.select %eq3A_661, %jit3A_662, %jit3A_659 : i32
        %rem3A_664 = arith.remsi %add3A_626, %select_n3A_663 : i32
        %ne3A_665 = arith.constant 0 : i32
        %ne3A_666 = arith.cmpi ne, %rem3A_664, %ne3A_665 : i32
        %lt3A_667 = arith.constant 0 : i32
        %lt3A_668 = arith.cmpi slt, %rem3A_664, %lt3A_667 : i32
        %lt3A_669 = arith.constant 0 : i32
        %lt3A_670 = arith.cmpi slt, %select_n3A_663, %lt3A_669 : i32
        %ne3A_671 = arith.xori %lt3A_668, %lt3A_670 : i1
        %and3A_672 = arith.andi %ne3A_671, %ne3A_666 : i1
        %add3A_673 = arith.addi %rem3A_664, %select_n3A_663 : i32
        %select_n3A_674 = arith.select %and3A_672, %add3A_673, %rem3A_664 : i32
        %dma_start3A_675 = arith.constant 0 : i32
        %dma_start3A_676 = tpu.memref_slice %arg13[%select_n3A_658, %dma_start3A_675] : memref<3x80xi32, #tpu.memory_space<vmem>> -> memref<1x80xi32, #tpu.memory_space<vmem>>
        %dma_start3A_677 = tpu.memref_squeeze %dma_start3A_676 : memref<1x80xi32, #tpu.memory_space<vmem>> -> memref<80xi32, #tpu.memory_space<vmem>>
        %dma_start3A_678 = arith.constant 0 : i32
        %dma_start3A_679 = tpu.memref_slice %arg11[%select_n3A_642, %dma_start3A_678] : memref<4x80xi32, #tpu.memory_space<vmem>> -> memref<1x80xi32, #tpu.memory_space<vmem>>
        %dma_start3A_680 = tpu.memref_squeeze %dma_start3A_679 : memref<1x80xi32, #tpu.memory_space<vmem>> -> memref<80xi32, #tpu.memory_space<vmem>>
        %dma_start3A_681 = arith.constant 0 : i32
        %dma_start3A_682 = tpu.memref_slice %arg8[%dma_start3A_681] : memref<50000xi32, #tpu.memory_space<vmem_shared>> -> memref<50000xi32, #tpu.memory_space<vmem_shared>>
        %dma_start3A_683 = tpu.memref_slice %arg18[%select_n3A_674] : memref<3x!tpu.dma_semaphore, #tpu.memory_space<semaphore_mem>> -> memref<1x!tpu.dma_semaphore, #tpu.memory_space<semaphore_mem>>
        %dma_start3A_684 = tpu.memref_squeeze %dma_start3A_683 : memref<1x!tpu.dma_semaphore, #tpu.memory_space<semaphore_mem>> -> memref<!tpu.dma_semaphore, #tpu.memory_space<semaphore_mem>>
        tpu.enqueue_indirect_dma source(%dma_start3A_682 : memref<50000xi32, #tpu.memory_space<vmem_shared>>) target(%dma_start3A_677 : memref<80xi32, #tpu.memory_space<vmem>>) offsets(%dma_start3A_680 : memref<80xi32, #tpu.memory_space<vmem>>) semaphore(%dma_start3A_684 : memref<!tpu.dma_semaphore, #tpu.memory_space<semaphore_mem>>)
      } else {
      }
      %add3A_392 = arith.constant 1 : i32
      %add3A_393 = arith.addi %scan3A_377, %add3A_392 : i32
      %lt3A_394 = arith.constant 125 : i32
      %lt3A_395 = arith.cmpi slt, %add3A_393, %lt3A_394 : i32
      %convert_element_type3A_396 = arith.extui %lt3A_395 : i1 to i32
      %cond3A_397 = arith.constant 0 : i32
      %cond3A_398 = arith.cmpi ne, %convert_element_type3A_396, %cond3A_397 : i32
      scf.if %cond3A_398 {
        %add3A_539 = arith.constant 1 : i32
        %add3A_540 = arith.addi %scan3A_377, %add3A_539 : i32
        %jit3A_541 = arith.constant 4 : i32
        %eq3A_542 = arith.constant 0 : i32
        %eq3A_543 = arith.cmpi eq, %jit3A_541, %eq3A_542 : i32
        %jit3A_544 = arith.constant 1 : i32
        %select_n3A_545 = arith.select %eq3A_543, %jit3A_544, %jit3A_541 : i32
        %rem3A_546 = arith.remsi %add3A_540, %select_n3A_545 : i32
        %ne3A_547 = arith.constant 0 : i32
        %ne3A_548 = arith.cmpi ne, %rem3A_546, %ne3A_547 : i32
        %lt3A_549 = arith.constant 0 : i32
        %lt3A_550 = arith.cmpi slt, %rem3A_546, %lt3A_549 : i32
        %lt3A_551 = arith.constant 0 : i32
        %lt3A_552 = arith.cmpi slt, %select_n3A_545, %lt3A_551 : i32
        %ne3A_553 = arith.xori %lt3A_550, %lt3A_552 : i1
        %and3A_554 = arith.andi %ne3A_553, %ne3A_548 : i1
        %add3A_555 = arith.addi %rem3A_546, %select_n3A_545 : i32
        %select_n3A_556 = arith.select %and3A_554, %add3A_555, %rem3A_546 : i32
        %jit3A_557 = arith.constant 3 : i32
        %eq3A_558 = arith.constant 0 : i32
        %eq3A_559 = arith.cmpi eq, %jit3A_557, %eq3A_558 : i32
        %jit3A_560 = arith.constant 1 : i32
        %select_n3A_561 = arith.select %eq3A_559, %jit3A_560, %jit3A_557 : i32
        %rem3A_562 = arith.remsi %add3A_540, %select_n3A_561 : i32
        %ne3A_563 = arith.constant 0 : i32
        %ne3A_564 = arith.cmpi ne, %rem3A_562, %ne3A_563 : i32
        %lt3A_565 = arith.constant 0 : i32
        %lt3A_566 = arith.cmpi slt, %rem3A_562, %lt3A_565 : i32
        %lt3A_567 = arith.constant 0 : i32
        %lt3A_568 = arith.cmpi slt, %select_n3A_561, %lt3A_567 : i32
        %ne3A_569 = arith.xori %lt3A_566, %lt3A_568 : i1
        %and3A_570 = arith.andi %ne3A_569, %ne3A_564 : i1
        %add3A_571 = arith.addi %rem3A_562, %select_n3A_561 : i32
        %select_n3A_572 = arith.select %and3A_570, %add3A_571, %rem3A_562 : i32
        %jit3A_573 = arith.constant 3 : i32
        %eq3A_574 = arith.constant 0 : i32
        %eq3A_575 = arith.cmpi eq, %jit3A_573, %eq3A_574 : i32
        %jit3A_576 = arith.constant 1 : i32
        %select_n3A_577 = arith.select %eq3A_575, %jit3A_576, %jit3A_573 : i32
        %rem3A_578 = arith.remsi %add3A_540, %select_n3A_577 : i32
        %ne3A_579 = arith.constant 0 : i32
        %ne3A_580 = arith.cmpi ne, %rem3A_578, %ne3A_579 : i32
        %lt3A_581 = arith.constant 0 : i32
        %lt3A_582 = arith.cmpi slt, %rem3A_578, %lt3A_581 : i32
        %lt3A_583 = arith.constant 0 : i32
        %lt3A_584 = arith.cmpi slt, %select_n3A_577, %lt3A_583 : i32
        %ne3A_585 = arith.xori %lt3A_582, %lt3A_584 : i1
        %and3A_586 = arith.andi %ne3A_585, %ne3A_580 : i1
        %add3A_587 = arith.addi %rem3A_578, %select_n3A_577 : i32
        %select_n3A_588 = arith.select %and3A_586, %add3A_587, %rem3A_578 : i32
        %dma_wait3A_589 = arith.constant 0 : i32
        %dma_wait3A_590 = tpu.memref_slice %arg13[%select_n3A_572, %dma_wait3A_589] : memref<3x80xi32, #tpu.memory_space<vmem>> -> memref<1x80xi32, #tpu.memory_space<vmem>>
        %dma_wait3A_591 = tpu.memref_squeeze %dma_wait3A_590 : memref<1x80xi32, #tpu.memory_space<vmem>> -> memref<80xi32, #tpu.memory_space<vmem>>
        %dma_wait3A_592 = arith.constant 0 : i32
        %dma_wait3A_593 = tpu.memref_slice %arg11[%select_n3A_556, %dma_wait3A_592] : memref<4x80xi32, #tpu.memory_space<vmem>> -> memref<1x80xi32, #tpu.memory_space<vmem>>
        %dma_wait3A_594 = tpu.memref_squeeze %dma_wait3A_593 : memref<1x80xi32, #tpu.memory_space<vmem>> -> memref<80xi32, #tpu.memory_space<vmem>>
        %dma_wait3A_595 = arith.constant 0 : i32
        %dma_wait3A_596 = tpu.memref_slice %arg8[%dma_wait3A_595] : memref<50000xi32, #tpu.memory_space<vmem_shared>> -> memref<50000xi32, #tpu.memory_space<vmem_shared>>
        %dma_wait3A_597 = tpu.memref_slice %arg18[%select_n3A_588] : memref<3x!tpu.dma_semaphore, #tpu.memory_space<semaphore_mem>> -> memref<1x!tpu.dma_semaphore, #tpu.memory_space<semaphore_mem>>
        %dma_wait3A_598 = tpu.memref_squeeze %dma_wait3A_597 : memref<1x!tpu.dma_semaphore, #tpu.memory_space<semaphore_mem>> -> memref<!tpu.dma_semaphore, #tpu.memory_space<semaphore_mem>>
        tpu.wait_indirect_dma semaphore(%dma_wait3A_598 : memref<!tpu.dma_semaphore, #tpu.memory_space<semaphore_mem>>) src(%dma_wait3A_596 : memref<50000xi32, #tpu.memory_space<vmem_shared>>) dst(%dma_wait3A_591 : memref<80xi32, #tpu.memory_space<vmem>>)
        %ge3A = arith.constant 2 : i32
        %ge3A_599 = arith.cmpi sge, %scan3A_377, %ge3A : i32
        %convert_element_type3A_600 = arith.extui %ge3A_599 : i1 to i32
        %cond3A_601 = arith.constant 0 : i32
        %cond3A_602 = arith.cmpi ne, %convert_element_type3A_600, %cond3A_601 : i32
        scf.if %cond3A_602 {
          %sub3A = arith.constant 2 : i32
          %sub3A_665 = arith.subi %scan3A_377, %sub3A : i32
          %jit3A_666 = arith.constant 3 : i32
          %eq3A_667 = arith.constant 0 : i32
          %eq3A_668 = arith.cmpi eq, %jit3A_666, %eq3A_667 : i32
          %jit3A_669 = arith.constant 1 : i32
          %select_n3A_670 = arith.select %eq3A_668, %jit3A_669, %jit3A_666 : i32
          %rem3A_671 = arith.remsi %sub3A_665, %select_n3A_670 : i32
          %ne3A_672 = arith.constant 0 : i32
          %ne3A_673 = arith.cmpi ne, %rem3A_671, %ne3A_672 : i32
          %lt3A_674 = arith.constant 0 : i32
          %lt3A_675 = arith.cmpi slt, %rem3A_671, %lt3A_674 : i32
          %lt3A_676 = arith.constant 0 : i32
          %lt3A_677 = arith.cmpi slt, %select_n3A_670, %lt3A_676 : i32
          %ne3A_678 = arith.xori %lt3A_675, %lt3A_677 : i1
          %and3A_679 = arith.andi %ne3A_678, %ne3A_673 : i1
          %add3A_680 = arith.addi %rem3A_671, %select_n3A_670 : i32
          %select_n3A_681 = arith.select %and3A_679, %add3A_680, %rem3A_671 : i32
          %jit3A_682 = arith.constant 6 : i32
          %eq3A_683 = arith.constant 0 : i32
          %eq3A_684 = arith.cmpi eq, %jit3A_682, %eq3A_683 : i32
          %jit3A_685 = arith.constant 1 : i32
          %select_n3A_686 = arith.select %eq3A_684, %jit3A_685, %jit3A_682 : i32
          %rem3A_687 = arith.remsi %sub3A_665, %select_n3A_686 : i32
          %ne3A_688 = arith.constant 0 : i32
          %ne3A_689 = arith.cmpi ne, %rem3A_687, %ne3A_688 : i32
          %lt3A_690 = arith.constant 0 : i32
          %lt3A_691 = arith.cmpi slt, %rem3A_687, %lt3A_690 : i32
          %lt3A_692 = arith.constant 0 : i32
          %lt3A_693 = arith.cmpi slt, %select_n3A_686, %lt3A_692 : i32
          %ne3A_694 = arith.xori %lt3A_691, %lt3A_693 : i1
          %and3A_695 = arith.andi %ne3A_694, %ne3A_689 : i1
          %add3A_696 = arith.addi %rem3A_687, %select_n3A_686 : i32
          %select_n3A_697 = arith.select %and3A_695, %add3A_696, %rem3A_687 : i32
          %jit3A_698 = arith.constant 2 : i32
          %eq3A_699 = arith.constant 0 : i32
          %eq3A_700 = arith.cmpi eq, %jit3A_698, %eq3A_699 : i32
          %jit3A_701 = arith.constant 1 : i32
          %select_n3A_702 = arith.select %eq3A_700, %jit3A_701, %jit3A_698 : i32
          %rem3A_703 = arith.remsi %sub3A_665, %select_n3A_702 : i32
          %ne3A_704 = arith.constant 0 : i32
          %ne3A_705 = arith.cmpi ne, %rem3A_703, %ne3A_704 : i32
          %lt3A_706 = arith.constant 0 : i32
          %lt3A_707 = arith.cmpi slt, %rem3A_703, %lt3A_706 : i32
          %lt3A_708 = arith.constant 0 : i32
          %lt3A_709 = arith.cmpi slt, %select_n3A_702, %lt3A_708 : i32
          %ne3A_710 = arith.xori %lt3A_707, %lt3A_709 : i1
          %and3A_711 = arith.andi %ne3A_710, %ne3A_705 : i1
          %add3A_712 = arith.addi %rem3A_703, %select_n3A_702 : i32
          %select_n3A_713 = arith.select %and3A_711, %add3A_712, %rem3A_703 : i32
          %dma_wait3A_714 = arith.constant 0 : i32
          %dma_wait3A_715 = arith.constant 0 : i32
          %dma_wait3A_716 = arith.constant 0 : i32
          %dma_wait3A_717 = tpu.memref_slice %arg14[%select_n3A_681, %dma_wait3A_715, %dma_wait3A_716] : memref<3x80x128xf32, #tpu.memory_space<vmem>> -> memref<1x80x128xf32, #tpu.memory_space<vmem>>
          %dma_wait3A_718 = tpu.memref_squeeze %dma_wait3A_717 : memref<1x80x128xf32, #tpu.memory_space<vmem>> -> memref<80x128xf32, #tpu.memory_space<vmem>>
          %dma_wait3A_719 = arith.constant 0 : i32
          %dma_wait3A_720 = tpu.memref_slice %arg10[%select_n3A_697, %dma_wait3A_714, %dma_wait3A_719] : memref<6x1x80xi32, #tpu.memory_space<vmem>> -> memref<1x1x80xi32, #tpu.memory_space<vmem>>
          %dma_wait3A_721 = tpu.memref_squeeze %dma_wait3A_720 : memref<1x1x80xi32, #tpu.memory_space<vmem>> -> memref<80xi32, #tpu.memory_space<vmem>>
          %dma_wait3A_722 = arith.constant 0 : i32
          %dma_wait3A_723 = arith.constant 0 : i32
          %dma_wait3A_724 = tpu.memref_slice %arg9[%dma_wait3A_722, %dma_wait3A_723] : memref<10240x128xf32, #tpu.memory_space<vmem_shared>> -> memref<10240x128xf32, #tpu.memory_space<vmem_shared>>
          %dma_wait3A_725 = tpu.memref_slice %arg20[%select_n3A_713] : memref<2x!tpu.dma_semaphore, #tpu.memory_space<semaphore_mem>> -> memref<1x!tpu.dma_semaphore, #tpu.memory_space<semaphore_mem>>
          %dma_wait3A_726 = tpu.memref_squeeze %dma_wait3A_725 : memref<1x!tpu.dma_semaphore, #tpu.memory_space<semaphore_mem>> -> memref<!tpu.dma_semaphore, #tpu.memory_space<semaphore_mem>>
          tpu.wait_indirect_dma semaphore(%dma_wait3A_726 : memref<!tpu.dma_semaphore, #tpu.memory_space<semaphore_mem>>) src(%dma_wait3A_718 : memref<80x128xf32, #tpu.memory_space<vmem>>) dst(%dma_wait3A_724 : memref<10240x128xf32, #tpu.memory_space<vmem_shared>>)
        } else {
        }
        %add3A_603 = arith.constant 1 : i32
        %add3A_604 = arith.addi %scan3A_377, %add3A_603 : i32
        %jit3A_605 = arith.constant 3 : i32
        %eq3A_606 = arith.constant 0 : i32
        %eq3A_607 = arith.cmpi eq, %jit3A_605, %eq3A_606 : i32
        %jit3A_608 = arith.constant 1 : i32
        %select_n3A_609 = arith.select %eq3A_607, %jit3A_608, %jit3A_605 : i32
        %rem3A_610 = arith.remsi %add3A_604, %select_n3A_609 : i32
        %ne3A_611 = arith.constant 0 : i32
        %ne3A_612 = arith.cmpi ne, %rem3A_610, %ne3A_611 : i32
        %lt3A_613 = arith.constant 0 : i32
        %lt3A_614 = arith.cmpi slt, %rem3A_610, %lt3A_613 : i32
        %lt3A_615 = arith.constant 0 : i32
        %lt3A_616 = arith.cmpi slt, %select_n3A_609, %lt3A_615 : i32
        %ne3A_617 = arith.xori %lt3A_614, %lt3A_616 : i1
        %and3A_618 = arith.andi %ne3A_617, %ne3A_612 : i1
        %add3A_619 = arith.addi %rem3A_610, %select_n3A_609 : i32
        %select_n3A_620 = arith.select %and3A_618, %add3A_619, %rem3A_610 : i32
        %jit3A_621 = arith.constant 3 : i32
        %eq3A_622 = arith.constant 0 : i32
        %eq3A_623 = arith.cmpi eq, %jit3A_621, %eq3A_622 : i32
        %jit3A_624 = arith.constant 1 : i32
        %select_n3A_625 = arith.select %eq3A_623, %jit3A_624, %jit3A_621 : i32
        %rem3A_626 = arith.remsi %add3A_604, %select_n3A_625 : i32
        %ne3A_627 = arith.constant 0 : i32
        %ne3A_628 = arith.cmpi ne, %rem3A_626, %ne3A_627 : i32
        %lt3A_629 = arith.constant 0 : i32
        %lt3A_630 = arith.cmpi slt, %rem3A_626, %lt3A_629 : i32
        %lt3A_631 = arith.constant 0 : i32
        %lt3A_632 = arith.cmpi slt, %select_n3A_625, %lt3A_631 : i32
        %ne3A_633 = arith.xori %lt3A_630, %lt3A_632 : i1
        %and3A_634 = arith.andi %ne3A_633, %ne3A_628 : i1
        %add3A_635 = arith.addi %rem3A_626, %select_n3A_625 : i32
        %select_n3A_636 = arith.select %and3A_634, %add3A_635, %rem3A_626 : i32
        %jit3A_637 = arith.constant 3 : i32
        %eq3A_638 = arith.constant 0 : i32
        %eq3A_639 = arith.cmpi eq, %jit3A_637, %eq3A_638 : i32
        %jit3A_640 = arith.constant 1 : i32
        %select_n3A_641 = arith.select %eq3A_639, %jit3A_640, %jit3A_637 : i32
        %rem3A_642 = arith.remsi %add3A_604, %select_n3A_641 : i32
        %ne3A_643 = arith.constant 0 : i32
        %ne3A_644 = arith.cmpi ne, %rem3A_642, %ne3A_643 : i32
        %lt3A_645 = arith.constant 0 : i32
        %lt3A_646 = arith.cmpi slt, %rem3A_642, %lt3A_645 : i32
        %lt3A_647 = arith.constant 0 : i32
        %lt3A_648 = arith.cmpi slt, %select_n3A_641, %lt3A_647 : i32
        %ne3A_649 = arith.xori %lt3A_646, %lt3A_648 : i1
        %and3A_650 = arith.andi %ne3A_649, %ne3A_644 : i1
        %add3A_651 = arith.addi %rem3A_642, %select_n3A_641 : i32
        %select_n3A_652 = arith.select %and3A_650, %add3A_651, %rem3A_642 : i32
        %dma_start3A_653 = arith.constant 0 : i32
        %dma_start3A_654 = arith.constant 0 : i32
        %dma_start3A_655 = tpu.memref_slice %arg14[%select_n3A_636, %dma_start3A_653, %dma_start3A_654] : memref<3x80x128xf32, #tpu.memory_space<vmem>> -> memref<1x80x128xf32, #tpu.memory_space<vmem>>
        %dma_start3A_656 = tpu.memref_squeeze %dma_start3A_655 : memref<1x80x128xf32, #tpu.memory_space<vmem>> -> memref<80x128xf32, #tpu.memory_space<vmem>>
        %dma_start3A_657 = arith.constant 0 : i32
        %dma_start3A_658 = tpu.memref_slice %arg13[%select_n3A_620, %dma_start3A_657] : memref<3x80xi32, #tpu.memory_space<vmem>> -> memref<1x80xi32, #tpu.memory_space<vmem>>
        %dma_start3A_659 = tpu.memref_squeeze %dma_start3A_658 : memref<1x80xi32, #tpu.memory_space<vmem>> -> memref<80xi32, #tpu.memory_space<vmem>>
        %dma_start3A_660 = arith.constant 0 : i32
        %dma_start3A_661 = arith.constant 0 : i32
        %dma_start3A_662 = tpu.memref_slice %arg2[%dma_start3A_660, %dma_start3A_661] : memref<50000x128xf32, #tpu.memory_space<hbm>> -> memref<50000x128xf32, #tpu.memory_space<hbm>>
        %dma_start3A_663 = tpu.memref_slice %arg19[%select_n3A_652] : memref<3x!tpu.dma_semaphore, #tpu.memory_space<semaphore_mem>> -> memref<1x!tpu.dma_semaphore, #tpu.memory_space<semaphore_mem>>
        %dma_start3A_664 = tpu.memref_squeeze %dma_start3A_663 : memref<1x!tpu.dma_semaphore, #tpu.memory_space<semaphore_mem>> -> memref<!tpu.dma_semaphore, #tpu.memory_space<semaphore_mem>>
        tpu.enqueue_indirect_dma source(%dma_start3A_662 : memref<50000x128xf32, #tpu.memory_space<hbm>>) target(%dma_start3A_656 : memref<80x128xf32, #tpu.memory_space<vmem>>) offsets(%dma_start3A_659 : memref<80xi32, #tpu.memory_space<vmem>>) semaphore(%dma_start3A_664 : memref<!tpu.dma_semaphore, #tpu.memory_space<semaphore_mem>>)
      } else {
      }
      %jit3A = arith.constant 3 : i32
      %eq3A_399 = arith.constant 0 : i32
      %eq3A_400 = arith.cmpi eq, %jit3A, %eq3A_399 : i32
      %jit3A_401 = arith.constant 1 : i32
      %select_n3A = arith.select %eq3A_400, %jit3A_401, %jit3A : i32
      %rem3A = arith.remsi %scan3A_377, %select_n3A : i32
      %ne3A = arith.constant 0 : i32
      %ne3A_402 = arith.cmpi ne, %rem3A, %ne3A : i32
      %lt3A_403 = arith.constant 0 : i32
      %lt3A_404 = arith.cmpi slt, %rem3A, %lt3A_403 : i32
      %lt3A_405 = arith.constant 0 : i32
      %lt3A_406 = arith.cmpi slt, %select_n3A, %lt3A_405 : i32
      %ne3A_407 = arith.xori %lt3A_404, %lt3A_406 : i1
      %and3A = arith.andi %ne3A_407, %ne3A_402 : i1
      %add3A_408 = arith.addi %rem3A, %select_n3A : i32
      %select_n3A_409 = arith.select %and3A, %add3A_408, %rem3A : i32
      %jit3A_410 = arith.constant 3 : i32
      %eq3A_411 = arith.constant 0 : i32
      %eq3A_412 = arith.cmpi eq, %jit3A_410, %eq3A_411 : i32
      %jit3A_413 = arith.constant 1 : i32
      %select_n3A_414 = arith.select %eq3A_412, %jit3A_413, %jit3A_410 : i32
      %rem3A_415 = arith.remsi %scan3A_377, %select_n3A_414 : i32
      %ne3A_416 = arith.constant 0 : i32
      %ne3A_417 = arith.cmpi ne, %rem3A_415, %ne3A_416 : i32
      %lt3A_418 = arith.constant 0 : i32
      %lt3A_419 = arith.cmpi slt, %rem3A_415, %lt3A_418 : i32
      %lt3A_420 = arith.constant 0 : i32
      %lt3A_421 = arith.cmpi slt, %select_n3A_414, %lt3A_420 : i32
      %ne3A_422 = arith.xori %lt3A_419, %lt3A_421 : i1
      %and3A_423 = arith.andi %ne3A_422, %ne3A_417 : i1
      %add3A_424 = arith.addi %rem3A_415, %select_n3A_414 : i32
      %select_n3A_425 = arith.select %and3A_423, %add3A_424, %rem3A_415 : i32
      %jit3A_426 = arith.constant 3 : i32
      %eq3A_427 = arith.constant 0 : i32
      %eq3A_428 = arith.cmpi eq, %jit3A_426, %eq3A_427 : i32
      %jit3A_429 = arith.constant 1 : i32
      %select_n3A_430 = arith.select %eq3A_428, %jit3A_429, %jit3A_426 : i32
      %rem3A_431 = arith.remsi %scan3A_377, %select_n3A_430 : i32
      %ne3A_432 = arith.constant 0 : i32
      %ne3A_433 = arith.cmpi ne, %rem3A_431, %ne3A_432 : i32
      %lt3A_434 = arith.constant 0 : i32
      %lt3A_435 = arith.cmpi slt, %rem3A_431, %lt3A_434 : i32
      %lt3A_436 = arith.constant 0 : i32
      %lt3A_437 = arith.cmpi slt, %select_n3A_430, %lt3A_436 : i32
      %ne3A_438 = arith.xori %lt3A_435, %lt3A_437 : i1
      %and3A_439 = arith.andi %ne3A_438, %ne3A_433 : i1
      %add3A_440 = arith.addi %rem3A_431, %select_n3A_430 : i32
      %select_n3A_441 = arith.select %and3A_439, %add3A_440, %rem3A_431 : i32
      %dma_wait3A_442 = arith.constant 0 : i32
      %dma_wait3A_443 = arith.constant 0 : i32
      %dma_wait3A_444 = tpu.memref_slice %arg14[%select_n3A_425, %dma_wait3A_442, %dma_wait3A_443] : memref<3x80x128xf32, #tpu.memory_space<vmem>> -> memref<1x80x128xf32, #tpu.memory_space<vmem>>
      %dma_wait3A_445 = tpu.memref_squeeze %dma_wait3A_444 : memref<1x80x128xf32, #tpu.memory_space<vmem>> -> memref<80x128xf32, #tpu.memory_space<vmem>>
      %dma_wait3A_446 = arith.constant 0 : i32
      %dma_wait3A_447 = tpu.memref_slice %arg13[%select_n3A_409, %dma_wait3A_446] : memref<3x80xi32, #tpu.memory_space<vmem>> -> memref<1x80xi32, #tpu.memory_space<vmem>>
      %dma_wait3A_448 = tpu.memref_squeeze %dma_wait3A_447 : memref<1x80xi32, #tpu.memory_space<vmem>> -> memref<80xi32, #tpu.memory_space<vmem>>
      %dma_wait3A_449 = arith.constant 0 : i32
      %dma_wait3A_450 = arith.constant 0 : i32
      %dma_wait3A_451 = tpu.memref_slice %arg2[%dma_wait3A_449, %dma_wait3A_450] : memref<50000x128xf32, #tpu.memory_space<hbm>> -> memref<50000x128xf32, #tpu.memory_space<hbm>>
      %dma_wait3A_452 = tpu.memref_slice %arg19[%select_n3A_441] : memref<3x!tpu.dma_semaphore, #tpu.memory_space<semaphore_mem>> -> memref<1x!tpu.dma_semaphore, #tpu.memory_space<semaphore_mem>>
      %dma_wait3A_453 = tpu.memref_squeeze %dma_wait3A_452 : memref<1x!tpu.dma_semaphore, #tpu.memory_space<semaphore_mem>> -> memref<!tpu.dma_semaphore, #tpu.memory_space<semaphore_mem>>
      tpu.wait_indirect_dma semaphore(%dma_wait3A_453 : memref<!tpu.dma_semaphore, #tpu.memory_space<semaphore_mem>>) src(%dma_wait3A_451 : memref<50000x128xf32, #tpu.memory_space<hbm>>) dst(%dma_wait3A_445 : memref<80x128xf32, #tpu.memory_space<vmem>>)
      %jit3A_454 = arith.constant 3 : i32
      %eq3A_455 = arith.constant 0 : i32
      %eq3A_456 = arith.cmpi eq, %jit3A_454, %eq3A_455 : i32
      %jit3A_457 = arith.constant 1 : i32
      %select_n3A_458 = arith.select %eq3A_456, %jit3A_457, %jit3A_454 : i32
      %rem3A_459 = arith.remsi %scan3A_377, %select_n3A_458 : i32
      %ne3A_460 = arith.constant 0 : i32
      %ne3A_461 = arith.cmpi ne, %rem3A_459, %ne3A_460 : i32
      %lt3A_462 = arith.constant 0 : i32
      %lt3A_463 = arith.cmpi slt, %rem3A_459, %lt3A_462 : i32
      %lt3A_464 = arith.constant 0 : i32
      %lt3A_465 = arith.cmpi slt, %select_n3A_458, %lt3A_464 : i32
      %ne3A_466 = arith.xori %lt3A_463, %lt3A_465 : i1
      %and3A_467 = arith.andi %ne3A_466, %ne3A_461 : i1
      %add3A_468 = arith.addi %rem3A_459, %select_n3A_458 : i32
      %select_n3A_469 = arith.select %and3A_467, %add3A_468, %rem3A_459 : i32
      %scan3A_470 = arith.constant 0 : i32
      %scan3A_471 = arith.constant 0 : i32
      %scan3A_472 = arith.constant 80 : i32
      %scan3A_473 = arith.addi %scan3A_471, %scan3A_472 : i32
      %scan3A_474 = arith.constant 1 : i32
      %scan3A_475 = scf.for %scan3A_539 = %scan3A_471 to %scan3A_473 step %scan3A_474 iter_args(%scan3A_540 = %scan3A_470) -> (i32)  : i32 {
        %jit3A_541 = arith.constant 4 : i32
        %eq3A_542 = arith.constant 0 : i32
        %eq3A_543 = arith.cmpi eq, %jit3A_541, %eq3A_542 : i32
        %jit3A_544 = arith.constant 1 : i32
        %select_n3A_545 = arith.select %eq3A_543, %jit3A_544, %jit3A_541 : i32
        %rem3A_546 = arith.remsi %scan3A_377, %select_n3A_545 : i32
        %ne3A_547 = arith.constant 0 : i32
        %ne3A_548 = arith.cmpi ne, %rem3A_546, %ne3A_547 : i32
        %lt3A_549 = arith.constant 0 : i32
        %lt3A_550 = arith.cmpi slt, %rem3A_546, %lt3A_549 : i32
        %lt3A_551 = arith.constant 0 : i32
        %lt3A_552 = arith.cmpi slt, %select_n3A_545, %lt3A_551 : i32
        %ne3A_553 = arith.xori %lt3A_550, %lt3A_552 : i1
        %and3A_554 = arith.andi %ne3A_553, %ne3A_548 : i1
        %add3A_555 = arith.addi %rem3A_546, %select_n3A_545 : i32
        %select_n3A_556 = arith.select %and3A_554, %add3A_555, %rem3A_546 : i32
        %broadcast_in_dim3A = vector.broadcast %scan3A_539 : i32 to vector<16xi32>
        %gather3A = arith.constant 0 : i32
        %gather3A_557 = tpu.memref_slice %arg12[%select_n3A_556, %gather3A] : memref<4x80xf32, #tpu.memory_space<vmem>> -> memref<1x80xf32, #tpu.memory_space<vmem>>
        %gather3A_558 = tpu.memref_squeeze %gather3A_557 : memref<1x80xf32, #tpu.memory_space<vmem>> -> memref<80xf32, #tpu.memory_space<vmem>>
        %gather3A_559 = tpu.vector_load_idx %gather3A_558[%broadcast_in_dim3A] : memref<80xf32, #tpu.memory_space<vmem>>[vector<16xi32>], vector<16xf32>,
        %get3A = arith.index_cast %select_n3A_469 : i32 to index
        %get3A_560 = arith.index_cast %scan3A_539 : i32 to index
        %get3A_561 = arith.constant 0 : index
        %get3A_562 = tpu.vector_load %arg14[%get3A, %get3A_560, %get3A_561] {strides = array<i32>} : memref<3x80x128xf32, #tpu.memory_space<vmem>>, vector<16xf32>,
        %mul3A_563 = arith.mulf %get3A_562, %gather3A_559 : vector<16xf32>
        %swap3A = arith.index_cast %select_n3A_469 : i32 to index
        %swap3A_564 = arith.index_cast %scan3A_539 : i32 to index
        %swap3A_565 = arith.constant 0 : index
        %swap3A_566 = tpu.vector_load %arg14[%swap3A, %swap3A_564, %swap3A_565] {strides = array<i32>} : memref<3x80x128xf32, #tpu.memory_space<vmem>>, vector<16xf32>,
        tpu.vector_store %arg14[%swap3A, %swap3A_564, %swap3A_565], %mul3A_563 {strides = array<i32>} : memref<3x80x128xf32, #tpu.memory_space<vmem>>, vector<16xf32>,
        %get3A_567 = arith.index_cast %select_n3A_469 : i32 to index
        %get3A_568 = arith.index_cast %scan3A_539 : i32 to index
        %get3A_569 = arith.constant 16 : index
        %get3A_570 = tpu.vector_load %arg14[%get3A_567, %get3A_568, %get3A_569] {strides = array<i32>} : memref<3x80x128xf32, #tpu.memory_space<vmem>>, vector<16xf32>,
        %mul3A_571 = arith.mulf %get3A_570, %gather3A_559 : vector<16xf32>
        %swap3A_572 = arith.index_cast %select_n3A_469 : i32 to index
        %swap3A_573 = arith.index_cast %scan3A_539 : i32 to index
        %swap3A_574 = arith.constant 16 : index
        %swap3A_575 = tpu.vector_load %arg14[%swap3A_572, %swap3A_573, %swap3A_574] {strides = array<i32>} : memref<3x80x128xf32, #tpu.memory_space<vmem>>, vector<16xf32>,
        tpu.vector_store %arg14[%swap3A_572, %swap3A_573, %swap3A_574], %mul3A_571 {strides = array<i32>} : memref<3x80x128xf32, #tpu.memory_space<vmem>>, vector<16xf32>,
        %get3A_576 = arith.index_cast %select_n3A_469 : i32 to index
        %get3A_577 = arith.index_cast %scan3A_539 : i32 to index
        %get3A_578 = arith.constant 32 : index
        %get3A_579 = tpu.vector_load %arg14[%get3A_576, %get3A_577, %get3A_578] {strides = array<i32>} : memref<3x80x128xf32, #tpu.memory_space<vmem>>, vector<16xf32>,
        %mul3A_580 = arith.mulf %get3A_579, %gather3A_559 : vector<16xf32>
        %swap3A_581 = arith.index_cast %select_n3A_469 : i32 to index
        %swap3A_582 = arith.index_cast %scan3A_539 : i32 to index
        %swap3A_583 = arith.constant 32 : index
        %swap3A_584 = tpu.vector_load %arg14[%swap3A_581, %swap3A_582, %swap3A_583] {strides = array<i32>} : memref<3x80x128xf32, #tpu.memory_space<vmem>>, vector<16xf32>,
        tpu.vector_store %arg14[%swap3A_581, %swap3A_582, %swap3A_583], %mul3A_580 {strides = array<i32>} : memref<3x80x128xf32, #tpu.memory_space<vmem>>, vector<16xf32>,
        %get3A_585 = arith.index_cast %select_n3A_469 : i32 to index
        %get3A_586 = arith.index_cast %scan3A_539 : i32 to index
        %get3A_587 = arith.constant 48 : index
        %get3A_588 = tpu.vector_load %arg14[%get3A_585, %get3A_586, %get3A_587] {strides = array<i32>} : memref<3x80x128xf32, #tpu.memory_space<vmem>>, vector<16xf32>,
        %mul3A_589 = arith.mulf %get3A_588, %gather3A_559 : vector<16xf32>
        %swap3A_590 = arith.index_cast %select_n3A_469 : i32 to index
        %swap3A_591 = arith.index_cast %scan3A_539 : i32 to index
        %swap3A_592 = arith.constant 48 : index
        %swap3A_593 = tpu.vector_load %arg14[%swap3A_590, %swap3A_591, %swap3A_592] {strides = array<i32>} : memref<3x80x128xf32, #tpu.memory_space<vmem>>, vector<16xf32>,
        tpu.vector_store %arg14[%swap3A_590, %swap3A_591, %swap3A_592], %mul3A_589 {strides = array<i32>} : memref<3x80x128xf32, #tpu.memory_space<vmem>>, vector<16xf32>,
        %get3A_594 = arith.index_cast %select_n3A_469 : i32 to index
        %get3A_595 = arith.index_cast %scan3A_539 : i32 to index
        %get3A_596 = arith.constant 64 : index
        %get3A_597 = tpu.vector_load %arg14[%get3A_594, %get3A_595, %get3A_596] {strides = array<i32>} : memref<3x80x128xf32, #tpu.memory_space<vmem>>, vector<16xf32>,
        %mul3A_598 = arith.mulf %get3A_597, %gather3A_559 : vector<16xf32>
        %swap3A_599 = arith.index_cast %select_n3A_469 : i32 to index
        %swap3A_600 = arith.index_cast %scan3A_539 : i32 to index
        %swap3A_601 = arith.constant 64 : index
        %swap3A_602 = tpu.vector_load %arg14[%swap3A_599, %swap3A_600, %swap3A_601] {strides = array<i32>} : memref<3x80x128xf32, #tpu.memory_space<vmem>>, vector<16xf32>,
        tpu.vector_store %arg14[%swap3A_599, %swap3A_600, %swap3A_601], %mul3A_598 {strides = array<i32>} : memref<3x80x128xf32, #tpu.memory_space<vmem>>, vector<16xf32>,
        %get3A_603 = arith.index_cast %select_n3A_469 : i32 to index
        %get3A_604 = arith.index_cast %scan3A_539 : i32 to index
        %get3A_605 = arith.constant 80 : index
        %get3A_606 = tpu.vector_load %arg14[%get3A_603, %get3A_604, %get3A_605] {strides = array<i32>} : memref<3x80x128xf32, #tpu.memory_space<vmem>>, vector<16xf32>,
        %mul3A_607 = arith.mulf %get3A_606, %gather3A_559 : vector<16xf32>
        %swap3A_608 = arith.index_cast %select_n3A_469 : i32 to index
        %swap3A_609 = arith.index_cast %scan3A_539 : i32 to index
        %swap3A_610 = arith.constant 80 : index
        %swap3A_611 = tpu.vector_load %arg14[%swap3A_608, %swap3A_609, %swap3A_610] {strides = array<i32>} : memref<3x80x128xf32, #tpu.memory_space<vmem>>, vector<16xf32>,
        tpu.vector_store %arg14[%swap3A_608, %swap3A_609, %swap3A_610], %mul3A_607 {strides = array<i32>} : memref<3x80x128xf32, #tpu.memory_space<vmem>>, vector<16xf32>,
        %get3A_612 = arith.index_cast %select_n3A_469 : i32 to index
        %get3A_613 = arith.index_cast %scan3A_539 : i32 to index
        %get3A_614 = arith.constant 96 : index
        %get3A_615 = tpu.vector_load %arg14[%get3A_612, %get3A_613, %get3A_614] {strides = array<i32>} : memref<3x80x128xf32, #tpu.memory_space<vmem>>, vector<16xf32>,
        %mul3A_616 = arith.mulf %get3A_615, %gather3A_559 : vector<16xf32>
        %swap3A_617 = arith.index_cast %select_n3A_469 : i32 to index
        %swap3A_618 = arith.index_cast %scan3A_539 : i32 to index
        %swap3A_619 = arith.constant 96 : index
        %swap3A_620 = tpu.vector_load %arg14[%swap3A_617, %swap3A_618, %swap3A_619] {strides = array<i32>} : memref<3x80x128xf32, #tpu.memory_space<vmem>>, vector<16xf32>,
        tpu.vector_store %arg14[%swap3A_617, %swap3A_618, %swap3A_619], %mul3A_616 {strides = array<i32>} : memref<3x80x128xf32, #tpu.memory_space<vmem>>, vector<16xf32>,
        %get3A_621 = arith.index_cast %select_n3A_469 : i32 to index
        %get3A_622 = arith.index_cast %scan3A_539 : i32 to index
        %get3A_623 = arith.constant 112 : index
        %get3A_624 = tpu.vector_load %arg14[%get3A_621, %get3A_622, %get3A_623] {strides = array<i32>} : memref<3x80x128xf32, #tpu.memory_space<vmem>>, vector<16xf32>,
        %mul3A_625 = arith.mulf %get3A_624, %gather3A_559 : vector<16xf32>
        %swap3A_626 = arith.index_cast %select_n3A_469 : i32 to index
        %swap3A_627 = arith.index_cast %scan3A_539 : i32 to index
        %swap3A_628 = arith.constant 112 : index
        %swap3A_629 = tpu.vector_load %arg14[%swap3A_626, %swap3A_627, %swap3A_628] {strides = array<i32>} : memref<3x80x128xf32, #tpu.memory_space<vmem>>, vector<16xf32>,
        tpu.vector_store %arg14[%swap3A_626, %swap3A_627, %swap3A_628], %mul3A_625 {strides = array<i32>} : memref<3x80x128xf32, #tpu.memory_space<vmem>>, vector<16xf32>,
        %scan3A_630 = arith.constant 0 : i32
        scf.yield %scan3A_630 : i32
      }
      %scan3A_476 = arith.constant 80 : i32
      %jit3A_477 = arith.constant 3 : i32
      %eq3A_478 = arith.constant 0 : i32
      %eq3A_479 = arith.cmpi eq, %jit3A_477, %eq3A_478 : i32
      %jit3A_480 = arith.constant 1 : i32
      %select_n3A_481 = arith.select %eq3A_479, %jit3A_480, %jit3A_477 : i32
      %rem3A_482 = arith.remsi %scan3A_377, %select_n3A_481 : i32
      %ne3A_483 = arith.constant 0 : i32
      %ne3A_484 = arith.cmpi ne, %rem3A_482, %ne3A_483 : i32
      %lt3A_485 = arith.constant 0 : i32
      %lt3A_486 = arith.cmpi slt, %rem3A_482, %lt3A_485 : i32
      %lt3A_487 = arith.constant 0 : i32
      %lt3A_488 = arith.cmpi slt, %select_n3A_481, %lt3A_487 : i32
      %ne3A_489 = arith.xori %lt3A_486, %lt3A_488 : i1
      %and3A_490 = arith.andi %ne3A_489, %ne3A_484 : i1
      %add3A_491 = arith.addi %rem3A_482, %select_n3A_481 : i32
      %select_n3A_492 = arith.select %and3A_490, %add3A_491, %rem3A_482 : i32
      %jit3A_493 = arith.constant 6 : i32
      %eq3A_494 = arith.constant 0 : i32
      %eq3A_495 = arith.cmpi eq, %jit3A_493, %eq3A_494 : i32
      %jit3A_496 = arith.constant 1 : i32
      %select_n3A_497 = arith.select %eq3A_495, %jit3A_496, %jit3A_493 : i32
      %rem3A_498 = arith.remsi %scan3A_377, %select_n3A_497 : i32
      %ne3A_499 = arith.constant 0 : i32
      %ne3A_500 = arith.cmpi ne, %rem3A_498, %ne3A_499 : i32
      %lt3A_501 = arith.constant 0 : i32
      %lt3A_502 = arith.cmpi slt, %rem3A_498, %lt3A_501 : i32
      %lt3A_503 = arith.constant 0 : i32
      %lt3A_504 = arith.cmpi slt, %select_n3A_497, %lt3A_503 : i32
      %ne3A_505 = arith.xori %lt3A_502, %lt3A_504 : i1
      %and3A_506 = arith.andi %ne3A_505, %ne3A_500 : i1
      %add3A_507 = arith.addi %rem3A_498, %select_n3A_497 : i32
      %select_n3A_508 = arith.select %and3A_506, %add3A_507, %rem3A_498 : i32
      %jit3A_509 = arith.constant 2 : i32
      %eq3A_510 = arith.constant 0 : i32
      %eq3A_511 = arith.cmpi eq, %jit3A_509, %eq3A_510 : i32
      %jit3A_512 = arith.constant 1 : i32
      %select_n3A_513 = arith.select %eq3A_511, %jit3A_512, %jit3A_509 : i32
      %rem3A_514 = arith.remsi %scan3A_377, %select_n3A_513 : i32
      %ne3A_515 = arith.constant 0 : i32
      %ne3A_516 = arith.cmpi ne, %rem3A_514, %ne3A_515 : i32
      %lt3A_517 = arith.constant 0 : i32
      %lt3A_518 = arith.cmpi slt, %rem3A_514, %lt3A_517 : i32
      %lt3A_519 = arith.constant 0 : i32
      %lt3A_520 = arith.cmpi slt, %select_n3A_513, %lt3A_519 : i32
      %ne3A_521 = arith.xori %lt3A_518, %lt3A_520 : i1
      %and3A_522 = arith.andi %ne3A_521, %ne3A_516 : i1
      %add3A_523 = arith.addi %rem3A_514, %select_n3A_513 : i32
      %select_n3A_524 = arith.select %and3A_522, %add3A_523, %rem3A_514 : i32
      %dma_start3A_525 = arith.constant 0 : i32
      %dma_start3A_526 = arith.constant 0 : i32
      %dma_start3A_527 = arith.constant 0 : i32
      %dma_start3A_528 = tpu.memref_slice %arg14[%select_n3A_492, %dma_start3A_526, %dma_start3A_527] : memref<3x80x128xf32, #tpu.memory_space<vmem>> -> memref<1x80x128xf32, #tpu.memory_space<vmem>>
      %dma_start3A_529 = tpu.memref_squeeze %dma_start3A_528 : memref<1x80x128xf32, #tpu.memory_space<vmem>> -> memref<80x128xf32, #tpu.memory_space<vmem>>
      %dma_start3A_530 = arith.constant 0 : i32
      %dma_start3A_531 = tpu.memref_slice %arg10[%select_n3A_508, %dma_start3A_525, %dma_start3A_530] : memref<6x1x80xi32, #tpu.memory_space<vmem>> -> memref<1x1x80xi32, #tpu.memory_space<vmem>>
      %dma_start3A_532 = tpu.memref_squeeze %dma_start3A_531 : memref<1x1x80xi32, #tpu.memory_space<vmem>> -> memref<80xi32, #tpu.memory_space<vmem>>
      %dma_start3A_533 = arith.constant 0 : i32
      %dma_start3A_534 = arith.constant 0 : i32
      %dma_start3A_535 = tpu.memref_slice %arg9[%dma_start3A_533, %dma_start3A_534] : memref<10240x128xf32, #tpu.memory_space<vmem_shared>> -> memref<10240x128xf32, #tpu.memory_space<vmem_shared>>
      %dma_start3A_536 = tpu.memref_slice %arg20[%select_n3A_524] : memref<2x!tpu.dma_semaphore, #tpu.memory_space<semaphore_mem>> -> memref<1x!tpu.dma_semaphore, #tpu.memory_space<semaphore_mem>>
      %dma_start3A_537 = tpu.memref_squeeze %dma_start3A_536 : memref<1x!tpu.dma_semaphore, #tpu.memory_space<semaphore_mem>> -> memref<!tpu.dma_semaphore, #tpu.memory_space<semaphore_mem>>
      tpu.enqueue_indirect_dma source(%dma_start3A_529 : memref<80x128xf32, #tpu.memory_space<vmem>>) target(%dma_start3A_535 : memref<10240x128xf32, #tpu.memory_space<vmem_shared>>) offsets(%dma_start3A_532 : memref<80xi32, #tpu.memory_space<vmem>>) semaphore(%dma_start3A_537 : memref<!tpu.dma_semaphore, #tpu.memory_space<semaphore_mem>>) {add = true}
      %scan3A_538 = arith.constant 0 : i32
      scf.yield %scan3A_538 : i32
    }
    %scan3A_311 = arith.constant 125 : i32
    %dma_wait3A_312 = arith.constant 0 : i32
    %dma_wait3A_313 = arith.constant 3 : i32
    %dma_wait3A_314 = arith.constant 0 : i32
    %dma_wait3A_315 = arith.constant 1 : i32
    %dma_wait3A_316 = arith.constant 0 : i32
    %dma_wait3A_317 = arith.constant 0 : i32
    %dma_wait3A_318 = tpu.memref_slice %arg14[%dma_wait3A_312, %dma_wait3A_316, %dma_wait3A_317] : memref<3x80x128xf32, #tpu.memory_space<vmem>> -> memref<1x80x128xf32, #tpu.memory_space<vmem>>
    %dma_wait3A_319 = tpu.memref_squeeze %dma_wait3A_318 : memref<1x80x128xf32, #tpu.memory_space<vmem>> -> memref<80x128xf32, #tpu.memory_space<vmem>>
    %dma_wait3A_320 = arith.constant 0 : i32
    %dma_wait3A_321 = tpu.memref_slice %arg10[%dma_wait3A_313, %dma_wait3A_314, %dma_wait3A_320] : memref<6x1x80xi32, #tpu.memory_space<vmem>> -> memref<1x1x80xi32, #tpu.memory_space<vmem>>
    %dma_wait3A_322 = tpu.memref_squeeze %dma_wait3A_321 : memref<1x1x80xi32, #tpu.memory_space<vmem>> -> memref<80xi32, #tpu.memory_space<vmem>>
    %dma_wait3A_323 = arith.constant 0 : i32
    %dma_wait3A_324 = arith.constant 0 : i32
    %dma_wait3A_325 = tpu.memref_slice %arg9[%dma_wait3A_323, %dma_wait3A_324] : memref<10240x128xf32, #tpu.memory_space<vmem_shared>> -> memref<10240x128xf32, #tpu.memory_space<vmem_shared>>
    %dma_wait3A_326 = tpu.memref_slice %arg20[%dma_wait3A_315] : memref<2x!tpu.dma_semaphore, #tpu.memory_space<semaphore_mem>> -> memref<1x!tpu.dma_semaphore, #tpu.memory_space<semaphore_mem>>
    %dma_wait3A_327 = tpu.memref_squeeze %dma_wait3A_326 : memref<1x!tpu.dma_semaphore, #tpu.memory_space<semaphore_mem>> -> memref<!tpu.dma_semaphore, #tpu.memory_space<semaphore_mem>>
    tpu.wait_indirect_dma semaphore(%dma_wait3A_327 : memref<!tpu.dma_semaphore, #tpu.memory_space<semaphore_mem>>) src(%dma_wait3A_319 : memref<80x128xf32, #tpu.memory_space<vmem>>) dst(%dma_wait3A_325 : memref<10240x128xf32, #tpu.memory_space<vmem_shared>>)
    %dma_wait3A_328 = arith.constant 1 : i32
    %dma_wait3A_329 = arith.constant 4 : i32
    %dma_wait3A_330 = arith.constant 0 : i32
    %dma_wait3A_331 = arith.constant 0 : i32
    %dma_wait3A_332 = arith.constant 0 : i32
    %dma_wait3A_333 = arith.constant 0 : i32
    %dma_wait3A_334 = tpu.memref_slice %arg14[%dma_wait3A_328, %dma_wait3A_332, %dma_wait3A_333] : memref<3x80x128xf32, #tpu.memory_space<vmem>> -> memref<1x80x128xf32, #tpu.memory_space<vmem>>
    %dma_wait3A_335 = tpu.memref_squeeze %dma_wait3A_334 : memref<1x80x128xf32, #tpu.memory_space<vmem>> -> memref<80x128xf32, #tpu.memory_space<vmem>>
    %dma_wait3A_336 = arith.constant 0 : i32
    %dma_wait3A_337 = tpu.memref_slice %arg10[%dma_wait3A_329, %dma_wait3A_330, %dma_wait3A_336] : memref<6x1x80xi32, #tpu.memory_space<vmem>> -> memref<1x1x80xi32, #tpu.memory_space<vmem>>
    %dma_wait3A_338 = tpu.memref_squeeze %dma_wait3A_337 : memref<1x1x80xi32, #tpu.memory_space<vmem>> -> memref<80xi32, #tpu.memory_space<vmem>>
    %dma_wait3A_339 = arith.constant 0 : i32
    %dma_wait3A_340 = arith.constant 0 : i32
    %dma_wait3A_341 = tpu.memref_slice %arg9[%dma_wait3A_339, %dma_wait3A_340] : memref<10240x128xf32, #tpu.memory_space<vmem_shared>> -> memref<10240x128xf32, #tpu.memory_space<vmem_shared>>
    %dma_wait3A_342 = tpu.memref_slice %arg20[%dma_wait3A_331] : memref<2x!tpu.dma_semaphore, #tpu.memory_space<semaphore_mem>> -> memref<1x!tpu.dma_semaphore, #tpu.memory_space<semaphore_mem>>
    %dma_wait3A_343 = tpu.memref_squeeze %dma_wait3A_342 : memref<1x!tpu.dma_semaphore, #tpu.memory_space<semaphore_mem>> -> memref<!tpu.dma_semaphore, #tpu.memory_space<semaphore_mem>>
    tpu.wait_indirect_dma semaphore(%dma_wait3A_343 : memref<!tpu.dma_semaphore, #tpu.memory_space<semaphore_mem>>) src(%dma_wait3A_335 : memref<80x128xf32, #tpu.memory_space<vmem>>) dst(%dma_wait3A_341 : memref<10240x128xf32, #tpu.memory_space<vmem_shared>>)
    %barrier3A_344 = arith.constant 0 : index
    tpu.barrier barrier_id(%barrier3A_344)
    %mul3A_345 = arith.constant 640 : i32
    %mul3A_346 = arith.muli %arg1, %mul3A_345 : i32
    %add3A_347 = arith.constant 0 : i32
    %add3A_348 = arith.addi %mul3A_346, %add3A_347 : i32
    "tpu.region"() ({
      %run_scoped3A_377 = tpu.sem_alloc : memref<!tpu.dma_semaphore, #tpu.memory_space<semaphore_mem>>
      %dma_start3A_378 = arith.constant 0 : i32
      %dma_start3A_379 = tpu.memref_slice %arg7[%arg0, %add3A_348, %dma_start3A_378] : memref<2x10240x128xf32, #tpu.memory_space<hbm>> -> memref<1x80x128xf32, #tpu.memory_space<hbm>>
      %dma_start3A_380 = tpu.memref_squeeze %dma_start3A_379 : memref<1x80x128xf32, #tpu.memory_space<hbm>> -> memref<80x128xf32, #tpu.memory_space<hbm>>
      %dma_start3A_381 = arith.constant 0 : i32
      %dma_start3A_382 = tpu.memref_slice %arg9[%add3A_348, %dma_start3A_381] : memref<10240x128xf32, #tpu.memory_space<vmem_shared>> -> memref<80x128xf32, #tpu.memory_space<vmem_shared>>
      tpu.enqueue_dma source(%dma_start3A_382 : memref<80x128xf32, #tpu.memory_space<vmem_shared>>) target(%dma_start3A_380 : memref<80x128xf32, #tpu.memory_space<hbm>>) target_semaphore(%run_scoped3A_377 : memref<!tpu.dma_semaphore, #tpu.memory_space<semaphore_mem>>)
      %dma_wait3A_383 = arith.constant 0 : i32
      %dma_wait3A_384 = tpu.memref_slice %arg7[%arg0, %add3A_348, %dma_wait3A_383] : memref<2x10240x128xf32, #tpu.memory_space<hbm>> -> memref<1x80x128xf32, #tpu.memory_space<hbm>>
      %dma_wait3A_385 = tpu.memref_squeeze %dma_wait3A_384 : memref<1x80x128xf32, #tpu.memory_space<hbm>> -> memref<80x128xf32, #tpu.memory_space<hbm>>
      %dma_wait3A_386 = arith.constant 0 : i32
      %dma_wait3A_387 = tpu.memref_slice %arg9[%add3A_348, %dma_wait3A_386] : memref<10240x128xf32, #tpu.memory_space<vmem_shared>> -> memref<80x128xf32, #tpu.memory_space<vmem_shared>>
      tpu.wait_dma2 semaphore(%run_scoped3A_377 : memref<!tpu.dma_semaphore, #tpu.memory_space<semaphore_mem>>) src(%dma_wait3A_387 : memref<80x128xf32, #tpu.memory_space<vmem_shared>>) dst(%dma_wait3A_385 : memref<80x128xf32, #tpu.memory_space<hbm>>)
      tpu.yield
    }) : () -> ()
    %mul3A_349 = arith.constant 640 : i32
    %mul3A_350 = arith.muli %arg1, %mul3A_349 : i32
    %add3A_351 = arith.constant 80 : i32
    %add3A_352 = arith.addi %mul3A_350, %add3A_351 : i32
    "tpu.region"() ({
      %run_scoped3A_377 = tpu.sem_alloc : memref<!tpu.dma_semaphore, #tpu.memory_space<semaphore_mem>>
      %dma_start3A_378 = arith.constant 0 : i32
      %dma_start3A_379 = tpu.memref_slice %arg7[%arg0, %add3A_352, %dma_start3A_378] : memref<2x10240x128xf32, #tpu.memory_space<hbm>> -> memref<1x80x128xf32, #tpu.memory_space<hbm>>
      %dma_start3A_380 = tpu.memref_squeeze %dma_start3A_379 : memref<1x80x128xf32, #tpu.memory_space<hbm>> -> memref<80x128xf32, #tpu.memory_space<hbm>>
      %dma_start3A_381 = arith.constant 0 : i32
      %dma_start3A_382 = tpu.memref_slice %arg9[%add3A_352, %dma_start3A_381] : memref<10240x128xf32, #tpu.memory_space<vmem_shared>> -> memref<80x128xf32, #tpu.memory_space<vmem_shared>>
      tpu.enqueue_dma source(%dma_start3A_382 : memref<80x128xf32, #tpu.memory_space<vmem_shared>>) target(%dma_start3A_380 : memref<80x128xf32, #tpu.memory_space<hbm>>) target_semaphore(%run_scoped3A_377 : memref<!tpu.dma_semaphore, #tpu.memory_space<semaphore_mem>>)
      %dma_wait3A_383 = arith.constant 0 : i32
      %dma_wait3A_384 = tpu.memref_slice %arg7[%arg0, %add3A_352, %dma_wait3A_383] : memref<2x10240x128xf32, #tpu.memory_space<hbm>> -> memref<1x80x128xf32, #tpu.memory_space<hbm>>
      %dma_wait3A_385 = tpu.memref_squeeze %dma_wait3A_384 : memref<1x80x128xf32, #tpu.memory_space<hbm>> -> memref<80x128xf32, #tpu.memory_space<hbm>>
      %dma_wait3A_386 = arith.constant 0 : i32
      %dma_wait3A_387 = tpu.memref_slice %arg9[%add3A_352, %dma_wait3A_386] : memref<10240x128xf32, #tpu.memory_space<vmem_shared>> -> memref<80x128xf32, #tpu.memory_space<vmem_shared>>
      tpu.wait_dma2 semaphore(%run_scoped3A_377 : memref<!tpu.dma_semaphore, #tpu.memory_space<semaphore_mem>>) src(%dma_wait3A_387 : memref<80x128xf32, #tpu.memory_space<vmem_shared>>) dst(%dma_wait3A_385 : memref<80x128xf32, #tpu.memory_space<hbm>>)
      tpu.yield
    }) : () -> ()
    %mul3A_353 = arith.constant 640 : i32
    %mul3A_354 = arith.muli %arg1, %mul3A_353 : i32
    %add3A_355 = arith.constant 160 : i32
    %add3A_356 = arith.addi %mul3A_354, %add3A_355 : i32
    "tpu.region"() ({
      %run_scoped3A_377 = tpu.sem_alloc : memref<!tpu.dma_semaphore, #tpu.memory_space<semaphore_mem>>
      %dma_start3A_378 = arith.constant 0 : i32
      %dma_start3A_379 = tpu.memref_slice %arg7[%arg0, %add3A_356, %dma_start3A_378] : memref<2x10240x128xf32, #tpu.memory_space<hbm>> -> memref<1x80x128xf32, #tpu.memory_space<hbm>>
      %dma_start3A_380 = tpu.memref_squeeze %dma_start3A_379 : memref<1x80x128xf32, #tpu.memory_space<hbm>> -> memref<80x128xf32, #tpu.memory_space<hbm>>
      %dma_start3A_381 = arith.constant 0 : i32
      %dma_start3A_382 = tpu.memref_slice %arg9[%add3A_356, %dma_start3A_381] : memref<10240x128xf32, #tpu.memory_space<vmem_shared>> -> memref<80x128xf32, #tpu.memory_space<vmem_shared>>
      tpu.enqueue_dma source(%dma_start3A_382 : memref<80x128xf32, #tpu.memory_space<vmem_shared>>) target(%dma_start3A_380 : memref<80x128xf32, #tpu.memory_space<hbm>>) target_semaphore(%run_scoped3A_377 : memref<!tpu.dma_semaphore, #tpu.memory_space<semaphore_mem>>)
      %dma_wait3A_383 = arith.constant 0 : i32
      %dma_wait3A_384 = tpu.memref_slice %arg7[%arg0, %add3A_356, %dma_wait3A_383] : memref<2x10240x128xf32, #tpu.memory_space<hbm>> -> memref<1x80x128xf32, #tpu.memory_space<hbm>>
      %dma_wait3A_385 = tpu.memref_squeeze %dma_wait3A_384 : memref<1x80x128xf32, #tpu.memory_space<hbm>> -> memref<80x128xf32, #tpu.memory_space<hbm>>
      %dma_wait3A_386 = arith.constant 0 : i32
      %dma_wait3A_387 = tpu.memref_slice %arg9[%add3A_356, %dma_wait3A_386] : memref<10240x128xf32, #tpu.memory_space<vmem_shared>> -> memref<80x128xf32, #tpu.memory_space<vmem_shared>>
      tpu.wait_dma2 semaphore(%run_scoped3A_377 : memref<!tpu.dma_semaphore, #tpu.memory_space<semaphore_mem>>) src(%dma_wait3A_387 : memref<80x128xf32, #tpu.memory_space<vmem_shared>>) dst(%dma_wait3A_385 : memref<80x128xf32, #tpu.memory_space<hbm>>)
      tpu.yield
    }) : () -> ()
    %mul3A_357 = arith.constant 640 : i32
    %mul3A_358 = arith.muli %arg1, %mul3A_357 : i32
    %add3A_359 = arith.constant 240 : i32
    %add3A_360 = arith.addi %mul3A_358, %add3A_359 : i32
    "tpu.region"() ({
      %run_scoped3A_377 = tpu.sem_alloc : memref<!tpu.dma_semaphore, #tpu.memory_space<semaphore_mem>>
      %dma_start3A_378 = arith.constant 0 : i32
      %dma_start3A_379 = tpu.memref_slice %arg7[%arg0, %add3A_360, %dma_start3A_378] : memref<2x10240x128xf32, #tpu.memory_space<hbm>> -> memref<1x80x128xf32, #tpu.memory_space<hbm>>
      %dma_start3A_380 = tpu.memref_squeeze %dma_start3A_379 : memref<1x80x128xf32, #tpu.memory_space<hbm>> -> memref<80x128xf32, #tpu.memory_space<hbm>>
      %dma_start3A_381 = arith.constant 0 : i32
      %dma_start3A_382 = tpu.memref_slice %arg9[%add3A_360, %dma_start3A_381] : memref<10240x128xf32, #tpu.memory_space<vmem_shared>> -> memref<80x128xf32, #tpu.memory_space<vmem_shared>>
      tpu.enqueue_dma source(%dma_start3A_382 : memref<80x128xf32, #tpu.memory_space<vmem_shared>>) target(%dma_start3A_380 : memref<80x128xf32, #tpu.memory_space<hbm>>) target_semaphore(%run_scoped3A_377 : memref<!tpu.dma_semaphore, #tpu.memory_space<semaphore_mem>>)
      %dma_wait3A_383 = arith.constant 0 : i32
      %dma_wait3A_384 = tpu.memref_slice %arg7[%arg0, %add3A_360, %dma_wait3A_383] : memref<2x10240x128xf32, #tpu.memory_space<hbm>> -> memref<1x80x128xf32, #tpu.memory_space<hbm>>
      %dma_wait3A_385 = tpu.memref_squeeze %dma_wait3A_384 : memref<1x80x128xf32, #tpu.memory_space<hbm>> -> memref<80x128xf32, #tpu.memory_space<hbm>>
      %dma_wait3A_386 = arith.constant 0 : i32
      %dma_wait3A_387 = tpu.memref_slice %arg9[%add3A_360, %dma_wait3A_386] : memref<10240x128xf32, #tpu.memory_space<vmem_shared>> -> memref<80x128xf32, #tpu.memory_space<vmem_shared>>
      tpu.wait_dma2 semaphore(%run_scoped3A_377 : memref<!tpu.dma_semaphore, #tpu.memory_space<semaphore_mem>>) src(%dma_wait3A_387 : memref<80x128xf32, #tpu.memory_space<vmem_shared>>) dst(%dma_wait3A_385 : memref<80x128xf32, #tpu.memory_space<hbm>>)
      tpu.yield
    }) : () -> ()
    %mul3A_361 = arith.constant 640 : i32
    %mul3A_362 = arith.muli %arg1, %mul3A_361 : i32
    %add3A_363 = arith.constant 320 : i32
    %add3A_364 = arith.addi %mul3A_362, %add3A_363 : i32
    "tpu.region"() ({
      %run_scoped3A_377 = tpu.sem_alloc : memref<!tpu.dma_semaphore, #tpu.memory_space<semaphore_mem>>
      %dma_start3A_378 = arith.constant 0 : i32
      %dma_start3A_379 = tpu.memref_slice %arg7[%arg0, %add3A_364, %dma_start3A_378] : memref<2x10240x128xf32, #tpu.memory_space<hbm>> -> memref<1x80x128xf32, #tpu.memory_space<hbm>>
      %dma_start3A_380 = tpu.memref_squeeze %dma_start3A_379 : memref<1x80x128xf32, #tpu.memory_space<hbm>> -> memref<80x128xf32, #tpu.memory_space<hbm>>
      %dma_start3A_381 = arith.constant 0 : i32
      %dma_start3A_382 = tpu.memref_slice %arg9[%add3A_364, %dma_start3A_381] : memref<10240x128xf32, #tpu.memory_space<vmem_shared>> -> memref<80x128xf32, #tpu.memory_space<vmem_shared>>
      tpu.enqueue_dma source(%dma_start3A_382 : memref<80x128xf32, #tpu.memory_space<vmem_shared>>) target(%dma_start3A_380 : memref<80x128xf32, #tpu.memory_space<hbm>>) target_semaphore(%run_scoped3A_377 : memref<!tpu.dma_semaphore, #tpu.memory_space<semaphore_mem>>)
      %dma_wait3A_383 = arith.constant 0 : i32
      %dma_wait3A_384 = tpu.memref_slice %arg7[%arg0, %add3A_364, %dma_wait3A_383] : memref<2x10240x128xf32, #tpu.memory_space<hbm>> -> memref<1x80x128xf32, #tpu.memory_space<hbm>>
      %dma_wait3A_385 = tpu.memref_squeeze %dma_wait3A_384 : memref<1x80x128xf32, #tpu.memory_space<hbm>> -> memref<80x128xf32, #tpu.memory_space<hbm>>
      %dma_wait3A_386 = arith.constant 0 : i32
      %dma_wait3A_387 = tpu.memref_slice %arg9[%add3A_364, %dma_wait3A_386] : memref<10240x128xf32, #tpu.memory_space<vmem_shared>> -> memref<80x128xf32, #tpu.memory_space<vmem_shared>>
      tpu.wait_dma2 semaphore(%run_scoped3A_377 : memref<!tpu.dma_semaphore, #tpu.memory_space<semaphore_mem>>) src(%dma_wait3A_387 : memref<80x128xf32, #tpu.memory_space<vmem_shared>>) dst(%dma_wait3A_385 : memref<80x128xf32, #tpu.memory_space<hbm>>)
      tpu.yield
    }) : () -> ()
    %mul3A_365 = arith.constant 640 : i32
    %mul3A_366 = arith.muli %arg1, %mul3A_365 : i32
    %add3A_367 = arith.constant 400 : i32
    %add3A_368 = arith.addi %mul3A_366, %add3A_367 : i32
    "tpu.region"() ({
      %run_scoped3A_377 = tpu.sem_alloc : memref<!tpu.dma_semaphore, #tpu.memory_space<semaphore_mem>>
      %dma_start3A_378 = arith.constant 0 : i32
      %dma_start3A_379 = tpu.memref_slice %arg7[%arg0, %add3A_368, %dma_start3A_378] : memref<2x10240x128xf32, #tpu.memory_space<hbm>> -> memref<1x80x128xf32, #tpu.memory_space<hbm>>
      %dma_start3A_380 = tpu.memref_squeeze %dma_start3A_379 : memref<1x80x128xf32, #tpu.memory_space<hbm>> -> memref<80x128xf32, #tpu.memory_space<hbm>>
      %dma_start3A_381 = arith.constant 0 : i32
      %dma_start3A_382 = tpu.memref_slice %arg9[%add3A_368, %dma_start3A_381] : memref<10240x128xf32, #tpu.memory_space<vmem_shared>> -> memref<80x128xf32, #tpu.memory_space<vmem_shared>>
      tpu.enqueue_dma source(%dma_start3A_382 : memref<80x128xf32, #tpu.memory_space<vmem_shared>>) target(%dma_start3A_380 : memref<80x128xf32, #tpu.memory_space<hbm>>) target_semaphore(%run_scoped3A_377 : memref<!tpu.dma_semaphore, #tpu.memory_space<semaphore_mem>>)
      %dma_wait3A_383 = arith.constant 0 : i32
      %dma_wait3A_384 = tpu.memref_slice %arg7[%arg0, %add3A_368, %dma_wait3A_383] : memref<2x10240x128xf32, #tpu.memory_space<hbm>> -> memref<1x80x128xf32, #tpu.memory_space<hbm>>
      %dma_wait3A_385 = tpu.memref_squeeze %dma_wait3A_384 : memref<1x80x128xf32, #tpu.memory_space<hbm>> -> memref<80x128xf32, #tpu.memory_space<hbm>>
      %dma_wait3A_386 = arith.constant 0 : i32
      %dma_wait3A_387 = tpu.memref_slice %arg9[%add3A_368, %dma_wait3A_386] : memref<10240x128xf32, #tpu.memory_space<vmem_shared>> -> memref<80x128xf32, #tpu.memory_space<vmem_shared>>
      tpu.wait_dma2 semaphore(%run_scoped3A_377 : memref<!tpu.dma_semaphore, #tpu.memory_space<semaphore_mem>>) src(%dma_wait3A_387 : memref<80x128xf32, #tpu.memory_space<vmem_shared>>) dst(%dma_wait3A_385 : memref<80x128xf32, #tpu.memory_space<hbm>>)
      tpu.yield
    }) : () -> ()
    %mul3A_369 = arith.constant 640 : i32
    %mul3A_370 = arith.muli %arg1, %mul3A_369 : i32
    %add3A_371 = arith.constant 480 : i32
    %add3A_372 = arith.addi %mul3A_370, %add3A_371 : i32
    "tpu.region"() ({
      %run_scoped3A_377 = tpu.sem_alloc : memref<!tpu.dma_semaphore, #tpu.memory_space<semaphore_mem>>
      %dma_start3A_378 = arith.constant 0 : i32
      %dma_start3A_379 = tpu.memref_slice %arg7[%arg0, %add3A_372, %dma_start3A_378] : memref<2x10240x128xf32, #tpu.memory_space<hbm>> -> memref<1x80x128xf32, #tpu.memory_space<hbm>>
      %dma_start3A_380 = tpu.memref_squeeze %dma_start3A_379 : memref<1x80x128xf32, #tpu.memory_space<hbm>> -> memref<80x128xf32, #tpu.memory_space<hbm>>
      %dma_start3A_381 = arith.constant 0 : i32
      %dma_start3A_382 = tpu.memref_slice %arg9[%add3A_372, %dma_start3A_381] : memref<10240x128xf32, #tpu.memory_space<vmem_shared>> -> memref<80x128xf32, #tpu.memory_space<vmem_shared>>
      tpu.enqueue_dma source(%dma_start3A_382 : memref<80x128xf32, #tpu.memory_space<vmem_shared>>) target(%dma_start3A_380 : memref<80x128xf32, #tpu.memory_space<hbm>>) target_semaphore(%run_scoped3A_377 : memref<!tpu.dma_semaphore, #tpu.memory_space<semaphore_mem>>)
      %dma_wait3A_383 = arith.constant 0 : i32
      %dma_wait3A_384 = tpu.memref_slice %arg7[%arg0, %add3A_372, %dma_wait3A_383] : memref<2x10240x128xf32, #tpu.memory_space<hbm>> -> memref<1x80x128xf32, #tpu.memory_space<hbm>>
      %dma_wait3A_385 = tpu.memref_squeeze %dma_wait3A_384 : memref<1x80x128xf32, #tpu.memory_space<hbm>> -> memref<80x128xf32, #tpu.memory_space<hbm>>
      %dma_wait3A_386 = arith.constant 0 : i32
      %dma_wait3A_387 = tpu.memref_slice %arg9[%add3A_372, %dma_wait3A_386] : memref<10240x128xf32, #tpu.memory_space<vmem_shared>> -> memref<80x128xf32, #tpu.memory_space<vmem_shared>>
      tpu.wait_dma2 semaphore(%run_scoped3A_377 : memref<!tpu.dma_semaphore, #tpu.memory_space<semaphore_mem>>) src(%dma_wait3A_387 : memref<80x128xf32, #tpu.memory_space<vmem_shared>>) dst(%dma_wait3A_385 : memref<80x128xf32, #tpu.memory_space<hbm>>)
      tpu.yield
    }) : () -> ()
    %mul3A_373 = arith.constant 640 : i32
    %mul3A_374 = arith.muli %arg1, %mul3A_373 : i32
    %add3A_375 = arith.constant 560 : i32
    %add3A_376 = arith.addi %mul3A_374, %add3A_375 : i32
    "tpu.region"() ({
      %run_scoped3A_377 = tpu.sem_alloc : memref<!tpu.dma_semaphore, #tpu.memory_space<semaphore_mem>>
      %dma_start3A_378 = arith.constant 0 : i32
      %dma_start3A_379 = tpu.memref_slice %arg7[%arg0, %add3A_376, %dma_start3A_378] : memref<2x10240x128xf32, #tpu.memory_space<hbm>> -> memref<1x80x128xf32, #tpu.memory_space<hbm>>
      %dma_start3A_380 = tpu.memref_squeeze %dma_start3A_379 : memref<1x80x128xf32, #tpu.memory_space<hbm>> -> memref<80x128xf32, #tpu.memory_space<hbm>>
      %dma_start3A_381 = arith.constant 0 : i32
      %dma_start3A_382 = tpu.memref_slice %arg9[%add3A_376, %dma_start3A_381] : memref<10240x128xf32, #tpu.memory_space<vmem_shared>> -> memref<80x128xf32, #tpu.memory_space<vmem_shared>>
      tpu.enqueue_dma source(%dma_start3A_382 : memref<80x128xf32, #tpu.memory_space<vmem_shared>>) target(%dma_start3A_380 : memref<80x128xf32, #tpu.memory_space<hbm>>) target_semaphore(%run_scoped3A_377 : memref<!tpu.dma_semaphore, #tpu.memory_space<semaphore_mem>>)
      %dma_wait3A_383 = arith.constant 0 : i32
      %dma_wait3A_384 = tpu.memref_slice %arg7[%arg0, %add3A_376, %dma_wait3A_383] : memref<2x10240x128xf32, #tpu.memory_space<hbm>> -> memref<1x80x128xf32, #tpu.memory_space<hbm>>
      %dma_wait3A_385 = tpu.memref_squeeze %dma_wait3A_384 : memref<1x80x128xf32, #tpu.memory_space<hbm>> -> memref<80x128xf32, #tpu.memory_space<hbm>>
      %dma_wait3A_386 = arith.constant 0 : i32
      %dma_wait3A_387 = tpu.memref_slice %arg9[%add3A_376, %dma_wait3A_386] : memref<10240x128xf32, #tpu.memory_space<vmem_shared>> -> memref<80x128xf32, #tpu.memory_space<vmem_shared>>
      tpu.wait_dma2 semaphore(%run_scoped3A_377 : memref<!tpu.dma_semaphore, #tpu.memory_space<semaphore_mem>>) src(%dma_wait3A_387 : memref<80x128xf32, #tpu.memory_space<vmem_shared>>) dst(%dma_wait3A_385 : memref<80x128xf32, #tpu.memory_space<hbm>>)
      tpu.yield
    }) : () -> ()
    return
  }
}

module attributes {stable_mosaic.version = 14 : i64} {
  func.func @body(%arg0: i32, %arg1: memref<1024x128xf32, #tpu.memory_space<vmem>>, %arg2: memref<1024x128xf32, #tpu.memory_space<vmem>>, %arg3: memref<1024x128xf32, #tpu.memory_space<vmem>>) attributes {dimension_semantics = [#tpu.dimension_semantics<arbitrary>], iteration_bounds = array<i64: 10>, scalar_prefetch = 0 : i64, scratch_operands = 0 : i64, tpu.core_type = #tpu.core_type<tc>, window_params = [{transform_indices = @transform_0, window_bounds = array<i64: 1024, 128>}, {transform_indices = @transform_1, window_bounds = array<i64: 1024, 128>}, {transform_indices = @transform_2, window_bounds = array<i64: 1024, 128>}]} {
    %get3A = arith.constant 0 : index
    %get3A_0 = arith.constant 0 : index
    %get3A_1 = vector.load %arg1[%get3A, %get3A_0] : memref<1024x128xf32, #tpu.memory_space<vmem>>, vector<1024x128xf32>
    %get3A_2 = arith.constant 0 : index
    %get3A_3 = arith.constant 0 : index
    %get3A_4 = vector.load %arg2[%get3A_2, %get3A_3] : memref<1024x128xf32, #tpu.memory_space<vmem>>, vector<1024x128xf32>
    %add3A = arith.addf %get3A_1, %get3A_4 : vector<1024x128xf32>
    %swap3A = arith.constant 0 : index
    %swap3A_5 = arith.constant 0 : index
    %swap3A_6 = vector.load %arg3[%swap3A, %swap3A_5] : memref<1024x128xf32, #tpu.memory_space<vmem>>, vector<1024x128xf32>
    tpu.vector_store %arg3[%swap3A, %swap3A_5], %add3A {strides = array<i32>} : memref<1024x128xf32, #tpu.memory_space<vmem>>, vector<1024x128xf32>,
    return
  }
  func.func @transform_0(%arg0: i32) -> (i32, i32) {
    %c0_i32 = arith.constant 0 : i32
    %c0_i32_0 = arith.constant 0 : i32
    return %arg0, %c0_i32 : i32, i32
  }
  func.func @transform_1(%arg0: i32) -> (i32, i32) {
    %c0_i32 = arith.constant 0 : i32
    %c0_i32_0 = arith.constant 0 : i32
    return %arg0, %c0_i32 : i32, i32
  }
  func.func @transform_2(%arg0: i32) -> (i32, i32) {
    %c0_i32 = arith.constant 0 : i32
    %c0_i32_0 = arith.constant 0 : i32
    return %arg0, %c0_i32 : i32, i32
  }
}

</mosaic_0001>

<sc_bundles>
// kernel: kernel.4.cloned.1.call-start
scs
__scs_entry_jumppad:
0x0: {  	(pc) =	sbr.rel $0x88, $3  }
0x1: {  	(tag) =	ssettag $0x0;
	lr =	simm.s32 $0x1  }
0x2: {  	[smem:$0x3F9C] =	sst lr;
	_ =	strace $0xD0000000  }
0x3: {  	_ = 	snop  }
0x4: {  	_ = 	snop  }
0x5: {  	_ = 	snop  }
0x6: {  	_ = 	snop  }
0x7: {  	_ = 	snop  }
__scs_overlays_trampoline_lowered:
0x8: {  	[smem:$0x3FAB] =	sst s0  }
0x9: {  	[smem:$0x3FAC] =	sst s1  }
0xa: {  	[smem:$0x3FAD] =	sst s2  }
0xb: {  	[smem:$0x3FAE] =	sst s3  }
0xc: {  	[smem:$0x3FAF] =	sst s4  }
0xd: {  	[smem:$0x3FB0] =	sst s5  }
0xe: {  	[smem:$0x3FB1] =	sst s6  }
0xf: {  	[smem:$0x3FB2] =	sst s7  }
0x10: {  	[smem:$0x3FB3] =	sst s8  }
0x11: {  	[smem:$0x3FB4] =	sst s9;
	s0 =	simm.s32 @!p0 $0x0  }
0x12: {  	s1 =	sld [smem:$0x3F9A];
	s0 =	simm.s32 @p0 $0x1  }
0x13: {  	[smem:$0x3FB5] =	sst s0;
	s0 =	simm.s32 @!p1 $0x0  }
0x14: {  	s2 =	sld [smem:$0x3F99];
	s0 =	simm.s32 @p1 $0x1  }
0x15: {  	[smem:$0x3FB6] =	sst s0;
	s0 =	simm.s32 @!p2 $0x0  }
0x16: {  	s3 =	sld [smem:$0x3FDB];
	s0 =	simm.s32 @p2 $0x1  }
0x17: {  	s4 =	simm.s32 $0x1BF5;
	[smem:$0x3FB8] =	sst s0  }
0x18: {  	s0 =	sld [smem:$0x3F9B];
	_ =	swait.ge [sflag:s4], $0x0  }
0x19: {  	s7 =	sld [smem:$0x3F9C]  }
0x1a: {  	s8 =	sadd.s32 $0xFFFFE003, lr  }
0x1b: {  	s9 =	sadd.s32 $0xFFFFFEF7, lr;
	s5 =	simm.s32 $0xFFFFFFFF;
	p2 =	slt.u32 s8, $0xFFFFF086  }
0x1c: {  	p1 =	slt.u32 s9, $0xF7A;
	s5 =	simm.s32 @!p2 $0x0  }
0x1d: {  	s5 =	simm.s32 @p1 $0x1;
	p0 =	seq.s32 s7, s2  }
0x1e: {  	s7 =	smul.u32 @!p0 $0xF7A, s2;
	p2 =	seq.s32 @!p0 s5, $0x0  }
0x1f: {  	s9 =	smul.u32 $0xF7A, s1;
	s8 =	simm.s32 @!p0 $0x1BF5;
	p2 =	por !p2, p0  }
0x20: {  	[sflag:s8] =	ssyncset.s32 @!p0 $0xFFFFF086;
	s6 =	sadd.s32 @!p0 s3, s7;
	s7 =	simm.s32 @!p0 $0x108  }
0x21: {  	s3 =	sadd.s32 s3, s9;
	s6 =	sadd.s32 @!p0 $0x88, s6;
	s7 =	simm.s32 @p2 $0x1082  }
0x22: {  	[simem:s7], [sflag:s8] =	dma.local @!p0 [hbm:s6], $0xF7A  }
0x23: {  	s9 =	sor.u32 $0xD0000000, s2;
	s6 =	simm.s32 $0x108;
	_ =	swait.ge @!p0 [sflag:s8], $0x0  }
0x24: {  	s3 =	sadd.s32 $0x88, s3;
	s6 =	simm.s32 @!p1 $0x1082;
	[sflag:s4] =	ssyncset.s32 $0xFFFFF086  }
0x25: {  	[simem:s6], [sflag:s4] =	dma.local [hbm:s3], $0xF7A  }
0x26: {  	[smem:$0x3F9C] =	sst s1;
	(tag) =	ssettag s2;
	_ =	strace s9  }
0x27: {  	s1 =	sld [smem:$0x3FAC]  }
0x28: {  	s2 =	sld [smem:$0x3FAD]  }
0x29: {  	s4 =	sld [smem:$0x3FAF]  }
0x2a: {  	p0 =	seq.s32 s5, $0x0;
	s5 =	sld [smem:$0x3FB0]  }
0x2b: {  	s6 =	sld [smem:$0x3FB1]  }
0x2c: {  	s7 =	sld [smem:$0x3FB2]  }
0x2d: {  	s3 =	simm.s32 $0x108;
	s8 =	sld [smem:$0x3FB3]  }
0x2e: {  	s3 =	simm.s32 @!p0 $0x1082;
	s9 =	sld [smem:$0x3FB4]  }
0x2f: {  	lr =	sadd.s32 s0, s3;
	s0 =	sld [smem:$0x3FAB]  }
0x30: {  	s3 =	sld [smem:$0x3FAE]  }
0x31: {  	[smem:$0x3FB7] =	sst s10  }
0x32: {  	s10 =	sld [smem:$0x3FB5];
	_ =	sdelay $0x3  }
0x33: {  	p0 =	seq.s32 s10, $0x1;
	s10 =	sld [smem:$0x3FB7];
	_ =	sdelay $0x3  }
0x34: {  	[smem:$0x3FB7] =	sst s10  }
0x35: {  	s10 =	sld [smem:$0x3FB6];
	_ =	sdelay $0x3  }
0x36: {  	p1 =	seq.s32 s10, $0x1;
	s10 =	sld [smem:$0x3FB7];
	_ =	sdelay $0x3  }
0x37: {  	[smem:$0x3FB7] =	sst s10  }
0x38: {  	s10 =	sld [smem:$0x3FB8]  }
0x39: {  	_ = 	snop;
	(pc) =	sbr.ind lr, $3  }
0x3a: {  	_ = 	snop  }
0x3b: {  	_ = 	snop  }
0x3c: {  	p2 =	seq.s32 s10, $0x1;
	s10 =	sld [smem:$0x3FB7]  }
0x3d: {  	_ =	shalt  }
0x3e: {  	_ =	shalt  }
0x3f: {  	_ =	shalt  }
0x40: {  	_ =	shalt  }
0x41: {  	_ =	shalt  }
0x42: {  	_ =	shalt  }
0x43: {  	_ =	shalt  }
0x44: {  	_ =	shalt  }
0x45: {  	_ =	shalt  }
0x46: {  	_ =	shalt  }
0x47: {  	_ =	shalt  }
0x48: {  	_ =	shalt  }
0x49: {  	_ =	shalt  }
0x4a: {  	_ =	shalt  }
0x4b: {  	_ =	shalt  }
0x4c: {  	_ =	shalt  }
0x4d: {  	_ =	shalt  }
0x4e: {  	_ =	shalt  }
0x4f: {  	_ =	shalt  }
0x50: {  	_ =	shalt  }
0x51: {  	_ =	shalt  }
0x52: {  	_ =	shalt  }
0x53: {  	_ =	shalt  }
0x54: {  	_ =	shalt  }
0x55: {  	_ =	shalt  }
0x56: {  	_ =	shalt  }
0x57: {  	_ =	shalt  }
0x58: {  	_ =	shalt  }
0x59: {  	_ =	shalt  }
0x5a: {  	_ =	shalt  }
0x5b: {  	_ =	shalt  }
0x5c: {  	_ =	shalt  }
0x5d: {  	_ =	shalt  }
0x5e: {  	_ =	shalt  }
0x5f: {  	_ =	shalt  }
0x60: {  	_ =	shalt  }
0x61: {  	_ =	shalt  }
0x62: {  	_ =	shalt  }
0x63: {  	_ =	shalt  }
0x64: {  	_ =	shalt  }
0x65: {  	_ =	shalt  }
0x66: {  	_ =	shalt  }
0x67: {  	_ =	shalt  }
0x68: {  	_ =	shalt  }
0x69: {  	_ =	shalt  }
0x6a: {  	_ =	shalt  }
0x6b: {  	_ =	shalt  }
0x6c: {  	_ =	shalt  }
0x6d: {  	_ =	shalt  }
0x6e: {  	_ =	shalt  }
0x6f: {  	_ =	shalt  }
0x70: {  	_ =	shalt  }
0x71: {  	_ =	shalt  }
0x72: {  	_ =	shalt  }
0x73: {  	_ =	shalt  }
0x74: {  	_ =	shalt  }
0x75: {  	_ =	shalt  }
0x76: {  	_ =	shalt  }
0x77: {  	_ =	shalt  }
0x78: {  	_ =	shalt  }
0x79: {  	_ =	shalt  }
0x7a: {  	_ =	shalt  }
0x7b: {  	_ =	shalt  }
0x7c: {  	_ =	shalt  }
0x7d: {  	_ =	shalt  }
0x7e: {  	_ =	shalt  }
0x7f: {  	_ =	shalt  }
0x80: {  	_ =	shalt  }
0x81: {  	_ =	shalt  }
0x82: {  	_ =	shalt  }
0x83: {  	_ =	shalt  }
0x84: {  	_ =	shalt  }
0x85: {  	_ =	shalt  }
0x86: {  	_ =	shalt  }
0x87: {  	_ =	shalt  }
.Lfunc_end0:
.L_simem_size_0:
called_computation_lowered:
.L_overlay_start_0:
0x88: {  	s2 =	sld [smem:$0x3FD9]  }
0x89: {  	s3 =	sld [smem:$0x3FFE];
	_ =	sdelay $0x1  }
0x8a: {  	s1 =	srdreg.scid  }
0x8b: {  	s0 =	sand.u32 $0x1, s1  }
0x8c: {  	s17 =	sshll.u32 s0, $0xA;
	s2 =	sadd.s32 s3, s2  }
0x8d: {  	s2 =	sadd.s32 s2, s17  }
0x8e: {  	[smem:$0x3FC3] =	sst s2  }
0x8f: {  	_ = 	snop  }
0x90: {  	s2 =	sld [smem:$0x3FC9]  }
0x91: {  	s18 =	sld [smem:$0x3FC8]  }
0x92: {  	s4 =	sld [smem:$0x3FC7]  }
0x93: {  	s5 =	sld [smem:$0x3FC6]  }
0x94: {  	s6 =	sld [smem:$0x3FC5];
	(tm) =	ssettm $0x1  }
0x95: {  	s7 =	sld [smem:$0x3FFB];
	_ =	sdelay $0x3  }
0x96: {  	_ =	strace s7  }
0x97: {  	s7 =	sld [smem:$0x3FFC];
	_ =	sdelay $0x3  }
0x98: {  	_ =	strace s7  }
0x99: {  	s7 =	sld [smem:$0x3FFD];
	_ =	sdelay $0x3  }
0x9a: {  	_ =	strace s7  }
0x9b: {  	_ =	strace $0x8FFFFFFF  }
0x9c: {  	s19 =	sld [smem:$0x3FDB];
	_ =	sdelay $0x1  }
0x9d: {  	s8 =	simm.s32 $_scs_section_size  }
0x9e: {  	s9 =	simm.s32 $_size__tile_overlayer_lowered;
	s10 =	simm.s32 $_tile_overlayer_lowered  }
0x9f: {  	s22 =	simm.s32 $0x1BFF;
	s21 =	sshll.u32 s10, $0x1;
	s7 =	sadd.s32 s8, s19  }
0xa0: {  	s11 =	simm.s32 $0x0;
	s20 =	sshll.u32 s9, $0x1;
	s9 =	sadd.s32 s21, s7  }
0xa1: {  	[timem:s11], [sflag:s22] =	dma.local [hbm:s9], s20  }
0xa2: {  	_ =	swait.ge [sflag:s22], s20  }
0xa3: {  	s8 =	ssub.s32 $0x0, s20;
	[sflag:s22] =	ssyncset.done $0x0  }
0xa4: {  	[sflag:s22] =	ssyncadd.s32 s8;
	_ =	sdelay $0x1  }
0xa5: {  	s23 =	simm.s32 $0x1B8B  }
0xa6: {  	_ =	swait.ge [sflag:s23], $0x1  }
0xa7: {  	[sflag:s23] =	ssyncset.done $0x0  }
0xa8: {  	s25 =	simm.s32 $0x1B8E;
	s24 =	sld [smem:$0x3FFE];
	[sflag:s23] =	ssyncadd.s32 $0xFFFFFFFF  }
0xa9: {  	s26 =	simm.s32 $execute0_lowered;
	[smem:$0x3FD2] =	sst s25  }
0xaa: {  	s9 =	sshll.u32 s26, $0x1;
	_ =	strace $0x80000046;
	[dreg:$0x1] =	wrdreg $0xFFFFFFFF  }
0xab: {  	s28 =	simm.s32 $_size_execute0_lowered;
	s7 =	sadd.s32 s7, s9;
	[dreg:$0x0] =	wrdreg $0x0  }
0xac: {  	s9 =	sshll.u32 s28, $0x1;
	[dreg:$0x2] =	wrdreg s7  }
0xad: {  	[dreg:$0x3] =	wrdreg s9  }
0xae: {  	[dreg:$0x4] =	wrdreg $0xC0  }
0xaf: {  	_ =	task [dreg:s11], $0x5FFFF  }
0xb0: {  	[dreg:$0x1] =	wrdreg $0xFFFFFFFF  }
0xb1: {  	[dreg:$0x0] =	wrdreg $0x60  }
0xb2: {  	[dreg:$0x2] =	wrdreg s2  }
0xb3: {  	[dreg:$0x3] =	wrdreg s18  }
0xb4: {  	[dreg:$0x4] =	wrdreg s4  }
0xb5: {  	[dreg:$0x5] =	wrdreg s5  }
0xb6: {  	[dreg:$0x6] =	wrdreg s6  }
0xb7: {  	[dreg:$0x7] =	wrdreg s24  }
0xb8: {  	[dreg:$0x8] =	wrdreg $0xC380  }
0xb9: {  	[dreg:$0x9] =	wrdreg $0x0  }
0xba: {  	[dreg:$0xa] =	wrdreg $0x9  }
0xbb: {  	_ =	task.clear_ibuf [dreg:s11], $0xBFFFF;
	_ =	strace $0x90000046  }
0xbc: {  	s29 =	simm.s32 $0x9;
	_ =	strace $0x80000048  }
0xbd: {  	_ =	swait.ge [sflag:s29], $0x1  }
0xbe: {  	[sflag:s29] =	ssyncadd.s32 $0xFFFFFFFF  }
0xbf: {  	_ =	strace $0x90000048  }
0xc0: {  	_ =	sfence  }
0xc1: {  	s30 =	sld [smem:$0x0];
	_ =	sdelay $0x2  }
0xc2: {  	s31 =	sshll.u32 s1, $0xD;
	s1 =	sshrl.u32 s1, $0x2  }
0xc3: {  	s3 =	sand.u32 $0x4000, s31;
	s1 =	sadd.s32 s1, s30  }
0xc4: {  	s0 =	sor.u32 s3, s0;
	s1 =	sshll.u32 s1, $0x11  }
0xc5: {  	s0 =	sor.u32 s1, s0  }
0xc6: {  	s0 =	sadd.s32 $0x8F2B, s0  }
0xc7: {  	[sflag:s0] =	ssyncadd.remote.s32 $0x1  }
0xc8: {  	_ =	sfence.sel $0xFFFF  }
0xc9: {  	[dreg:$0x0] =	wrdreg $0xFFFFFFFF;
	(pc) =	sbr.abs _section_cstart, $3  }
0xca: {  	[dreg:$0x1] =	wrdreg $0xFFFFFFFF  }
0xcb: {  	_ =	task.clear_ibuf [dreg:s11], $0x2FFFF;
	_ =	strace $0x9FFFFFFF  }
0xcc: {  	(tm) =	ssettm $0x7FFFFFFF  }
0xcd: {  	_ =	shalt  }
tec
execute0_lowered:
.L_overlay_start_1:
0x0: {  	(tag) =	ssettag $0x1  }
0x1: {  	s0 =	rddreg [dreg:$0x0]  }
0x2: {  	s2 =	rddreg [dreg:$0x2]  }
0x3: {  	s3 =	rddreg [dreg:$0x3]  }
0x4: {  	s4 =	rddreg [dreg:$0x4]  }
0x5: {  	s1 =	rddreg [dreg:$0x5];
	s7 =	srdreg.scid  }
0x6: {  	s5 =	rddreg [dreg:$0x6];
	s6 =	simm.s32 $0x0;
	s28 =	stileid.u32  }
0x7: {  	s30 =	simm.s32 $0x50;
	s7 =	sand.u32 $0x1, s7;
	[smem:$0x7FF] =	sst s6  }
0x8: {  	s10 =	sshll.u32 s28, $0x1;
	s11 =	smul.u32 $0x14000, s28;
	s1 =	sadd.s32 $0x600, s1  }
0x9: {  	s31 =	smul.u32 $0x50000, s28;
	p0 =	sne.s32 s28, $0x0;
	s8 =	ssub.s32 $0x2, s7  }
0xa: {  	s9 =	sshrl.u32 s8, $0x1;
	s12 =	sadd.s32 $0x5000, s11;
	s13 =	sadd.s32 $0x7800, s11  }
0xb: {  	s8 =	ssub.s32 s8, s9;
	s9 =	sor.u32 s7, s10;
	s7 =	smul.u32 $0x140000, s7  }
0xc: {  	s14 =	sadd.s32 $0xA000, s11;
	s15 =	sadd.s32 $0xC800, s11;
	s17 =	sadd.s32 $0xF000, s11  }
0xd: {  	s26 =	sadd.s32 $0x11800, s11;
	s10 =	sor.u32 $0x2800, s11;
	s11 =	sadd.s32 s11, s7  }
0xe: {  	s16 =	sadd.s32 s7, s10;
	s18 =	sadd.s32 s7, s12;
	s20 =	sadd.s32 s7, s13  }
0xf: {  	s21 =	sadd.s32 s7, s14;
	s22 =	sadd.s32 s7, s15;
	s29 =	sadd.s32 s7, s17  }
0x10: {  	s7 =	sadd.s32 s7, s26;
	s26 =	sadd.s32 s26, s5;
	s11 =	sshrl.u32 s11, $0x3  }
0x11: {  	s16 =	sshrl.u32 s16, $0x3;
	s18 =	sshrl.u32 s18, $0x3;
	s11 =	sadd.s32 s1, s11  }
0x12: {  	s24 =	sshrl.u32 s22, $0x3;
	s19 =	sadd.s32 s1, s18;
	[dreg:$0x9] =	wrdreg s11  }
0x13: {  	s23 =	sshrl.u32 s21, $0x3;
	s25 =	sadd.s32 s1, s24;
	[dreg:$0xb] =	wrdreg s19  }
0x14: {  	s7 =	sshrl.u32 s7, $0x3;
	s11 =	sadd.s32 s1, s16;
	[dreg:$0xe] =	wrdreg s25  }
0x15: {  	s21 =	sadd.s32 s12, s5;
	[dreg:$0xa] =	wrdreg s11;
	s11 =	sshrl.u32 s20, $0x3  }
0x16: {  	s22 =	sadd.s32 s13, s5;
	s16 =	rddreg [dreg:$0x7];
	s11 =	sadd.s32 s1, s11  }
0x17: {  	s24 =	sadd.s32 s15, s5;
	[dreg:$0xc] =	wrdreg s11;
	s11 =	sadd.s32 s1, s23  }
0x18: {  	s19 =	smul.u32 $0x2710, s9;
	[dreg:$0xd] =	wrdreg s11;
	s11 =	sshrl.u32 s29, $0x3  }
0x19: {  	s25 =	sadd.s32 s17, s5;
	s20 =	sadd.s32 s10, s5;
	s11 =	sadd.s32 s1, s11  }
0x1a: {  	s9 =	sshrl.u32 s19, $0x3;
	s1 =	sadd.s32 s1, s7;
	[dreg:$0xf] =	wrdreg s11  }
0x1b: {  	s23 =	sadd.s32 s14, s5;
	s10 =	sadd.s32 s2, s9;
	[dreg:$0x10] =	wrdreg s1  }
0x1c: {  	s11 =	sadd.s32 s4, s9;
	_ =	strace $0x80000047;
	[dreg:$0x11] =	wrdreg s10  }
0x1d: {  	s12 =	sadd.s32 s3, s9;
	s13 =	sadd.s32 $0xA, s9;
	[dreg:$0x12] =	wrdreg s11  }
0x1e: {  	s14 =	sadd.s32 s2, s13;
	s15 =	sadd.s32 s4, s13;
	[dreg:$0x13] =	wrdreg s12  }
0x1f: {  	s7 =	sshrl.u32 s31, $0x2;
	s31 =	smax.u32 s8, $0x1;
	[dreg:$0x14] =	wrdreg s14  }
0x20: {  	s18 =	sadd.s32 s7, s5;
	s7 =	sadd.s32 s3, s13;
	[dreg:$0x15] =	wrdreg s15  }
.Ltmp0:
0x21: {  	s1 =	sadd.s32 $0x14, s9;
	[dreg:$0x16] =	wrdreg s7;
	(pc) =	sbr.rel .LBB2_1-.Ltmp0, $4  }
0x22: {  	s8 =	simm.s32 $0x16;
	s17 =	sadd.s32 s2, s1;
	[dreg:$0x1a] =	wrdreg s31  }
0x23: {  	s9 =	simm.s32 $0x15;
	s29 =	sadd.s32 s4, s1;
	[dreg:$0x17] =	wrdreg s17  }
0x24: {  	s1 =	sadd.s32 s3, s1;
	s11 =	simm.s32 $0x15538;
	[dreg:$0x18] =	wrdreg s29  }
0x25: {  	v0 =	vimm.f32 $0.0e+00;
	s12 =	simm.s32 $0x17;
	s10 =	simm.s32 $0x0;
	[dreg:$0x19] =	wrdreg s1  }
.LBB2_14:
0x26: {  	_ =	swait.ge [sflag:s8], $0x2800  }
0x27: {  	[sflag:s8] =	ssyncset.done $0x0  }
0x28: {  	[sflag:s8] =	ssyncadd.s32 $0xFFFFD800  }
0x29: {  	_ =	swait.ge [sflag:s9], $0x2800  }
0x2a: {  	[sflag:s9] =	ssyncset.done $0x0  }
0x2b: {  	s1 =	stileid.u32;
	[sflag:s9] =	ssyncadd.s32 $0xFFFFD800  }
0x2c: {  	s1 =	sshll.u32 s1, $0x6;
	[bflag:$0x0] =	sbarrier.arrive $0xFFFF  }
0x2d: {  	s7 =	sshrl.u32 s18, $0x3;
	s1 =	sor.u32 $0x1C17, s1;
	s13 =	rddreg [dreg:$0x9]  }
0x2e: {  	[hbm:s13], [sflag:s1] =	dma.local [spmem:s7], $0x500  }
0x2f: {  	_ =	swait.ge [sflag:s12], $0x500  }
0x30: {  	[sflag:s12] =	ssyncset.done $0x0  }
0x31: {  	s29 =	sshrl.u32 s20, $0x3;
	s31 =	rddreg [dreg:$0xa];
	[sflag:s12] =	ssyncadd.s32 $0xFFFFFB00  }
0x32: {  	[hbm:s31], [sflag:s1] =	dma.local [spmem:s29], $0x500  }
0x33: {  	_ =	swait.ge [sflag:s12], $0x500  }
0x34: {  	[sflag:s12] =	ssyncset.done $0x0  }
0x35: {  	s14 =	sshrl.u32 s21, $0x3;
	s15 =	rddreg [dreg:$0xb];
	[sflag:s12] =	ssyncadd.s32 $0xFFFFFB00  }
0x36: {  	[hbm:s15], [sflag:s1] =	dma.local [spmem:s14], $0x500  }
0x37: {  	_ =	swait.ge [sflag:s12], $0x500  }
0x38: {  	[sflag:s12] =	ssyncset.done $0x0  }
0x39: {  	s17 =	sshrl.u32 s22, $0x3;
	s28 =	rddreg [dreg:$0xc];
	[sflag:s12] =	ssyncadd.s32 $0xFFFFFB00  }
0x3a: {  	[hbm:s28], [sflag:s1] =	dma.local [spmem:s17], $0x500  }
0x3b: {  	_ =	swait.ge [sflag:s12], $0x500  }
0x3c: {  	[sflag:s12] =	ssyncset.done $0x0  }
0x3d: {  	s29 =	sshrl.u32 s23, $0x3;
	s31 =	rddreg [dreg:$0xd];
	[sflag:s12] =	ssyncadd.s32 $0xFFFFFB00  }
0x3e: {  	[hbm:s31], [sflag:s1] =	dma.local [spmem:s29], $0x500  }
0x3f: {  	_ =	swait.ge [sflag:s12], $0x500  }
0x40: {  	[sflag:s12] =	ssyncset.done $0x0  }
0x41: {  	s13 =	sshrl.u32 s24, $0x3;
	s14 =	rddreg [dreg:$0xe];
	[sflag:s12] =	ssyncadd.s32 $0xFFFFFB00  }
0x42: {  	[hbm:s14], [sflag:s1] =	dma.local [spmem:s13], $0x500  }
0x43: {  	_ =	swait.ge [sflag:s12], $0x500  }
0x44: {  	[sflag:s12] =	ssyncset.done $0x0  }
0x45: {  	s15 =	sshrl.u32 s25, $0x3;
	s17 =	rddreg [dreg:$0xf];
	[sflag:s12] =	ssyncadd.s32 $0xFFFFFB00  }
0x46: {  	[hbm:s17], [sflag:s1] =	dma.local [spmem:s15], $0x500  }
0x47: {  	_ =	swait.ge [sflag:s12], $0x500  }
0x48: {  	[sflag:s12] =	ssyncset.done $0x0  }
0x49: {  	s28 =	sshrl.u32 s26, $0x3;
	s29 =	rddreg [dreg:$0x10];
	[sflag:s12] =	ssyncadd.s32 $0xFFFFFB00  }
0x4a: {  	[hbm:s29], [sflag:s1] =	dma.local [spmem:s28], $0x500  }
0x4b: {  	_ =	swait.ge [sflag:s12], $0x500  }
0x4c: {  	s10 =	sadd.s32 $0x1, s10;
	s31 =	rddreg [dreg:$0x1a]  }
0x4d: {  	p1 =	sne.s32 s10, s31  }
.Ltmp1:
0x4e: {  	_ = 	snop;
	(pc) =	sbr.rel @!p1 .LBB2_15-.Ltmp1, $3  }
0x4f: {  	_ =	sdelay $0x1  }
0x50: {  	[sflag:s12] =	ssyncset.done $0x0  }
0x51: {  	[sflag:s12] =	ssyncadd.s32 $0xFFFFFB00  }
.LBB2_1:
0x52: {  	s1 =	simm.s32 $0x0;
	s7 =	simm.s32 $0x200  }
.LBB2_2:
0x53: {  	p1 =	sne.s32 s7, $0x9E00;
	[tilespmem:s1+$0x155A8] =	vst v0  }
0x54: {  	[tilespmem:s1+$0x15538] =	vst v0  }
0x55: {  	[tilespmem:s1+$0x15548] =	vst v0  }
.Ltmp2:
0x56: {  	[tilespmem:s1+$0x15558] =	vst v0;
	(pc) =	sbr.rel @p1 .LBB2_2-.Ltmp2, $4  }
0x57: {  	[tilespmem:s1+$0x15568] =	vst v0  }
0x58: {  	[tilespmem:s1+$0x15578] =	vst v0  }
0x59: {  	[tilespmem:s1+$0x15588] =	vst v0  }
0x5a: {  	[tilespmem:s1+$0x15598] =	vst v0;
	s1 =	sshra.s32 s7, $0x2;
	s7 =	sadd.s32 $0x200, s7  }
0x5b: {  	[tilespmem:s1+$0x155A8] =	vst v0  }
0x5c: {  	[tilespmem:s1+$0x15538] =	vst v0  }
0x5d: {  	[tilespmem:s1+$0x15548] =	vst v0  }
0x5e: {  	[tilespmem:s1+$0x15558] =	vst v0  }
0x5f: {  	[tilespmem:s1+$0x15568] =	vst v0  }
0x60: {  	[tilespmem:s1+$0x15578] =	vst v0  }
0x61: {  	[tilespmem:s1+$0x15588] =	vst v0  }
0x62: {  	[tilespmem:s1+$0x15598] =	vst v0  }
0x63: {  	[spmem:s18] =	stream.linear.scatter [tilespmem:s11], [sflag:$0x17], $0x2800, $0x38;
	[tilespmem:$0x1CD38] =	vst v63  }
0x64: {  	_ =	swait.ge [sflag:s12], $0x2800  }
0x65: {  	[sflag:s12] =	ssyncset.done $0x0  }
0x66: {  	[sflag:s12] =	ssyncadd.s32 $0xFFFFD800  }
0x67: {  	[spmem:s20] =	stream.linear.scatter [tilespmem:s11], [sflag:$0x17], $0x2800, $0x38;
	[tilespmem:$0x1CD38] =	vst v63  }
0x68: {  	_ =	swait.ge [sflag:s12], $0x2800  }
0x69: {  	[sflag:s12] =	ssyncset.done $0x0  }
0x6a: {  	[sflag:s12] =	ssyncadd.s32 $0xFFFFD800  }
0x6b: {  	[spmem:s21] =	stream.linear.scatter [tilespmem:s11], [sflag:$0x17], $0x2800, $0x38;
	[tilespmem:$0x1CD38] =	vst v63  }
0x6c: {  	_ =	swait.ge [sflag:s12], $0x2800  }
0x6d: {  	[sflag:s12] =	ssyncset.done $0x0  }
0x6e: {  	[sflag:s12] =	ssyncadd.s32 $0xFFFFD800  }
0x6f: {  	[spmem:s22] =	stream.linear.scatter [tilespmem:s11], [sflag:$0x17], $0x2800, $0x38;
	[tilespmem:$0x1CD38] =	vst v63  }
0x70: {  	_ =	swait.ge [sflag:s12], $0x2800  }
0x71: {  	[sflag:s12] =	ssyncset.done $0x0  }
0x72: {  	[sflag:s12] =	ssyncadd.s32 $0xFFFFD800  }
0x73: {  	[spmem:s23] =	stream.linear.scatter [tilespmem:s11], [sflag:$0x17], $0x2800, $0x38;
	[tilespmem:$0x1CD38] =	vst v63  }
0x74: {  	_ =	swait.ge [sflag:s12], $0x2800  }
0x75: {  	[sflag:s12] =	ssyncset.done $0x0  }
0x76: {  	[sflag:s12] =	ssyncadd.s32 $0xFFFFD800  }
0x77: {  	[spmem:s24] =	stream.linear.scatter [tilespmem:s11], [sflag:$0x17], $0x2800, $0x38;
	[tilespmem:$0x1CD38] =	vst v63  }
0x78: {  	_ =	swait.ge [sflag:s12], $0x2800  }
0x79: {  	[sflag:s12] =	ssyncset.done $0x0  }
0x7a: {  	[sflag:s12] =	ssyncadd.s32 $0xFFFFD800  }
0x7b: {  	[spmem:s25] =	stream.linear.scatter [tilespmem:s11], [sflag:$0x17], $0x2800, $0x38;
	[tilespmem:$0x1CD38] =	vst v63  }
0x7c: {  	_ =	swait.ge [sflag:s12], $0x2800  }
0x7d: {  	[sflag:s12] =	ssyncset.done $0x0  }
0x7e: {  	[sflag:s12] =	ssyncadd.s32 $0xFFFFD800  }
0x7f: {  	[spmem:s26] =	stream.linear.scatter [tilespmem:s11], [sflag:$0x17], $0x2800, $0x38;
	[tilespmem:$0x1CD38] =	vst v63  }
0x80: {  	_ =	swait.ge [sflag:s12], $0x2800  }
0x81: {  	[sflag:s12] =	ssyncset.done $0x0  }
0x82: {  	[sflag:s12] =	ssyncadd.s32 $0xFFFFD800  }
0x83: {  	s1 =	sshrl.u32 @!p0 s16, $0x3;
	s7 =	simm.s32 @!p0 $0x1C17;
	s13 =	rddreg [dreg:$0x1]  }
0x84: {  	[spmem:s1], [sflag:s7] =	dma.local @!p0 [hbm:s13], $0x1870  }
0x85: {  	s1 =	simm.s32 @!p0 $0x17  }
0x86: {  	_ =	swait.ge @!p0 [sflag:s1], $0x1870  }
0x87: {  	[sflag:s1] =	ssyncset.done @!p0 $0x0  }
0x88: {  	[sflag:s1] =	ssyncadd.s32 @!p0 $0xFFFFE790  }
0x89: {  	[bflag:$0x0] =	sbarrier.arrive $0xFFFF  }
0x8a: {  	s15 =	simm.s32 $0x0;
	s7 =	simm.s32 $0x14F38;
	s31 =	rddreg [dreg:$0x11]  }
0x8b: {  	[tilespmem:s7], [sflag:$0x1] =	stream.linear.gather [hbm4b:s31+s15], $0x50, $0x38;
	[tilespmem:$0x1CD38] =	vst v63  }
0x8c: {  	s14 =	simm.s32 $0x15138;
	s13 =	rddreg [dreg:$0x12]  }
0x8d: {  	[tilespmem:s14], [sflag:$0x5] =	stream.linear.gather [hbm4b:s13+s15], $0x50, $0x38;
	[tilespmem:$0x1CD38] =	vst v63  }
0x8e: {  	s28 =	simm.s32 $0x14C38;
	s17 =	rddreg [dreg:$0x13]  }
0x8f: {  	[tilespmem:s28], [sflag:$0x9] =	stream.linear.gather [hbm4b:s17+s15], $0x50, $0x38;
	[tilespmem:$0x1CD38] =	vst v63  }
0x90: {  	s29 =	rddreg [dreg:$0x14];
	s13 =	simm.s32 $0x14FB8  }
0x91: {  	[tilespmem:s13], [sflag:$0x2] =	stream.linear.gather [hbm4b:s29+s15], $0x50, $0x38;
	[tilespmem:$0x1CD38] =	vst v63  }
0x92: {  	s31 =	rddreg [dreg:$0x15];
	s14 =	simm.s32 $0x151B8  }
0x93: {  	[tilespmem:s14], [sflag:$0x6] =	stream.linear.gather [hbm4b:s31+s15], $0x50, $0x38;
	[tilespmem:$0x1CD38] =	vst v63  }
0x94: {  	s17 =	rddreg [dreg:$0x16];
	s28 =	simm.s32 $0x14CB8  }
0x95: {  	[tilespmem:s28], [sflag:$0xA] =	stream.linear.gather [hbm4b:s17+s15], $0x50, $0x38;
	[tilespmem:$0x1CD38] =	vst v63  }
0x96: {  	s29 =	rddreg [dreg:$0x17];
	s31 =	simm.s32 $0x15038  }
0x97: {  	[tilespmem:s31], [sflag:$0x3] =	stream.linear.gather [hbm4b:s29+s15], $0x50, $0x38;
	[tilespmem:$0x1CD38] =	vst v63  }
0x98: {  	s17 =	rddreg [dreg:$0x18];
	s28 =	simm.s32 $0x15238  }
0x99: {  	[tilespmem:s28], [sflag:$0x7] =	stream.linear.gather [hbm4b:s17+s15], $0x50, $0x38;
	[tilespmem:$0x1CD38] =	vst v63  }
0x9a: {  	s29 =	rddreg [dreg:$0x19];
	s31 =	simm.s32 $0x14D38;
	s17 =	simm.s32 $0x1  }
0x9b: {  	[tilespmem:s31], [sflag:$0xB] =	stream.linear.gather [hbm4b:s29+s15], $0x50, $0x38;
	[tilespmem:$0x1CD38] =	vst v63  }
0x9c: {  	_ =	swait.ge [sflag:s17], $0x50  }
0x9d: {  	[sflag:s17] =	ssyncset.done $0x0  }
0x9e: {  	s28 =	simm.s32 $0x5;
	[sflag:s17] =	ssyncadd.s32 $0xFFFFFFB0  }
0x9f: {  	_ =	swait.ge [sflag:s28], $0x50  }
0xa0: {  	[sflag:s28] =	ssyncset.done $0x0  }
0xa1: {  	s29 =	simm.s32 $0x9;
	[sflag:s28] =	ssyncadd.s32 $0xFFFFFFB0  }
0xa2: {  	_ =	swait.ge [sflag:s29], $0x50  }
0xa3: {  	[sflag:s29] =	ssyncset.done $0x0  }
0xa4: {  	s14 =	simm.s32 $0xF;
	s31 =	simm.s32 $0x15338;
	[sflag:s29] =	ssyncadd.s32 $0xFFFFFFB0  }
0xa5: {  	[tilespmem:s31], [sflag:$0xF] =	stream.indirect.gather [spmem:s16], $0x1, s7, s30, $0xb8;
	[tilespmem:$0x1CD38] =	vst v63  }
0xa6: {  	_ =	swait.ge [sflag:s14], $0x50  }
0xa7: {  	[sflag:s14] =	ssyncset.done $0x0  }
0xa8: {  	s17 =	simm.s32 $0x2;
	[sflag:s14] =	ssyncadd.s32 $0xFFFFFFB0  }
0xa9: {  	[tilespmem:s11], [sflag:$0x12] =	stream.indirect.gather [hbm4b:s0+s30], $0x80, s31, s30, $0xb8;
	[tilespmem:$0x1CD38] =	vst v63  }
0xaa: {  	_ =	swait.ge [sflag:s17], $0x50  }
0xab: {  	[sflag:s17] =	ssyncset.done $0x0  }
0xac: {  	s28 =	simm.s32 $0x6;
	[sflag:s17] =	ssyncadd.s32 $0xFFFFFFB0  }
0xad: {  	_ =	swait.ge [sflag:s28], $0x50  }
0xae: {  	[sflag:s28] =	ssyncset.done $0x0  }
0xaf: {  	s29 =	simm.s32 $0xA;
	[sflag:s28] =	ssyncadd.s32 $0xFFFFFFB0  }
0xb0: {  	_ =	swait.ge [sflag:s29], $0x50  }
0xb1: {  	[sflag:s29] =	ssyncset.done $0x0  }
0xb2: {  	s31 =	simm.s32 $0x153B8;
	[sflag:s29] =	ssyncadd.s32 $0xFFFFFFB0  }
0xb3: {  	[tilespmem:s31], [sflag:$0x10] =	stream.indirect.gather [spmem:s16], $0x1, s13, s30, $0xb8;
	[tilespmem:$0x1CD38] =	vst v63  }
.LBB2_4:
0xb4: {  	p1 =	sgt.u32 s15, $0x79  }
.Ltmp3:
0xb5: {  	_ = 	snop;
	(pc) =	sbr.rel @p1 .LBB2_6-.Ltmp3, $1  }
0xb6: {  	_ =	sdelay $0x3  }
0xb7: {  	s1 =	sadd.s32 $0x3, s15  }
0xb8: {  	s7 =	smul.u32 $0x50, s1  }
0xb9: {  	s14 =	sand.u32 $0x3, s1;
	s13 =	smul.u32 $0xAB, s1  }
0xba: {  	s17 =	sshll.u32 s14, $0x7;
	s29 =	sadd.s32 $0x1, s14;
	s7 =	sadd.s32 s19, s7  }
0xbb: {  	s14 =	sadd.s32 $0x5, s14;
	s13 =	sshrl.u32 s13, $0xA;
	s7 =	sshrl.u32 s7, $0x3  }
0xbc: {  	s28 =	sadd.s32 $0x14F38, s17;
	s13 =	sand.u32 $0x3F, s13;
	s31 =	sadd.s32 s2, s7  }
0xbd: {  	[tilespmem:s28], [sflag:s29] =	stream.linear.gather [hbm4b:s31+s6], $0x50, $0x38;
	[tilespmem:$0x1CD38] =	vst v63  }
0xbe: {  	s17 =	sadd.s32 $0x15138, s17;
	s13 =	smul.u32 $0x6, s13;
	s29 =	sadd.s32 s4, s7  }
0xbf: {  	[tilespmem:s17], [sflag:s14] =	stream.linear.gather [hbm4b:s29+s6], $0x50, $0x38;
	[tilespmem:$0x1CD38] =	vst v63  }
.Ltmp4:
0xc0: {  	s1 =	ssub.s32 s1, s13;
	(pc) =	sbr.rel .LBB2_9-.Ltmp4, $4  }
0xc1: {  	s1 =	sand.u32 $0xFF, s1  }
0xc2: {  	s31 =	sshll.u32 s1, $0x7  }
0xc3: {  	s7 =	sadd.s32 s3, s7;
	s1 =	sadd.s32 $0x9, s1;
	s13 =	sor.u32 $0x14C38, s31  }
0xc4: {  	[tilespmem:s13], [sflag:s1] =	stream.linear.gather [hbm4b:s7+s6], $0x50, $0x38;
	[tilespmem:$0x1CD38] =	vst v63  }
.LBB2_6:
0xc5: {  	p1 =	seq.s32 s15, $0x7C  }
.Ltmp5:
0xc6: {  	_ = 	snop;
	(pc) =	sbr.rel @p1 .LBB2_7-.Ltmp5, $1  }
0xc7: {  	_ =	sdelay $0x3  }
0xc8: {  	p1 =	sne.s32 s15, $0x7A  }
.Ltmp6:
0xc9: {  	_ = 	snop;
	(pc) =	sbr.rel @p1 .LBB2_10-.Ltmp6, $2  }
0xca: {  	_ =	sdelay $0x2  }
0xcb: {  	s31 =	simm.s32 $0x7C  }
.LBB2_9:
0xcc: {  	s1 =	sadd.s32 $0x2, s15  }
0xcd: {  	s7 =	smul.u32 $0xAB, s1  }
0xce: {  	s13 =	sand.u32 $0x3, s1  }
0xcf: {  	s14 =	sadd.s32 $0x1, s13;
	s17 =	sshrl.u32 s7, $0xA  }
0xd0: {  	_ =	swait.ge [sflag:s14], $0x50;
	s17 =	sand.u32 $0x3F, s17  }
0xd1: {  	s7 =	sshrl.u32 s7, $0x9;
	[sflag:s14] =	ssyncset.done $0x0;
	s17 =	smul.u32 $0x6, s17  }
0xd2: {  	s29 =	sadd.s32 $0x5, s13;
	s7 =	sand.u32 $0x7F, s7;
	[sflag:s14] =	ssyncadd.s32 $0xFFFFFFB0  }
0xd3: {  	s7 =	smul.u32 $0x3, s7;
	_ =	swait.ge [sflag:s29], $0x50;
	s17 =	ssub.s32 s1, s17  }
0xd4: {  	s31 =	sadd.s32 $0x1, s15;
	[sflag:s29] =	ssyncset.done $0x0;
	s17 =	sand.u32 $0xFF, s17  }
0xd5: {  	s1 =	ssub.s32 s1, s7;
	[sflag:s29] =	ssyncadd.s32 $0xFFFFFFB0;
	s17 =	sadd.s32 $0x9, s17  }
0xd6: {  	s28 =	sshll.u32 s13, $0x7;
	s1 =	sand.u32 $0xFF, s1;
	_ =	swait.ge [sflag:s17], $0x50  }
0xd7: {  	s7 =	sadd.s32 $0x14F38, s28;
	s29 =	sshll.u32 s1, $0x7;
	[sflag:s17] =	ssyncset.done $0x0  }
0xd8: {  	s1 =	sadd.s32 $0xF, s1;
	s13 =	sadd.s32 $0x15338, s29;
	[sflag:s17] =	ssyncadd.s32 $0xFFFFFFB0  }
0xd9: {  	[tilespmem:s13], [sflag:s1] =	stream.indirect.gather [spmem:s16], $0x1, s7, s30, $0xb8;
	[tilespmem:$0x1CD38] =	vst v63  }
.LBB2_10:
0xda: {  	s1 =	smul.u32 $0xAB, s31;
	_ =	sdelay $0x1  }
0xdb: {  	s1 =	sshrl.u32 s1, $0x9  }
0xdc: {  	s1 =	sand.u32 $0x7F, s1  }
0xdd: {  	s1 =	smul.u32 $0x3, s1;
	_ =	sdelay $0x1  }
0xde: {  	s1 =	ssub.s32 s31, s1  }
0xdf: {  	s1 =	sand.u32 $0xFF, s1  }
0xe0: {  	s7 =	sadd.s32 $0xF, s1  }
0xe1: {  	p1 =	slt.u32 s15, $0x2;
	_ =	swait.ge [sflag:s7], $0x50  }
0xe2: {  	s13 =	sand.u32 @!p1 $0x1, s15;
	[sflag:s7] =	ssyncset.done $0x0  }
0xe3: {  	s17 =	smul.u32 $0xA000, s1;
	[sflag:s7] =	ssyncadd.s32 $0xFFFFFFB0;
	s7 =	sadd.s32 @!p1 $0x15, s13  }
0xe4: {  	s29 =	sshll.u32 s1, $0x7;
	_ =	swait.ge @!p1 [sflag:s7], $0x2800  }
0xe5: {  	s1 =	sadd.s32 $0x12, s1;
	s28 =	sshrl.u32 s17, $0x2;
	[sflag:s7] =	ssyncset.done @!p1 $0x0  }
0xe6: {  	s13 =	sadd.s32 $0x15338, s29;
	[sflag:s7] =	ssyncadd.s32 @!p1 $0xFFFFD800;
	s7 =	sadd.s32 $0x15538, s28  }
0xe7: {  	[tilespmem:s7], [sflag:s1] =	stream.indirect.gather [hbm4b:s0+s30], $0x80, s13, s30, $0xb8;
	[tilespmem:$0x1CD38] =	vst v63  }
.LBB2_11:
0xe8: {  	s1 =	sand.u32 $0xFF, s15  }
0xe9: {  	s28 =	smul.u32 $0xAB, s1;
	_ =	sdelay $0x1  }
0xea: {  	s1 =	sshrl.u32 s28, $0x9  }
0xeb: {  	s1 =	smul.u32 $0x3, s1;
	_ =	sdelay $0x1  }
0xec: {  	s1 =	ssub.s32 s15, s1  }
0xed: {  	s1 =	sand.u32 $0xFF, s1  }
0xee: {  	s7 =	sadd.s32 $0x12, s1;
	s1 =	smul.u32 $0xA000, s1  }
0xef: {  	s13 =	simm.s32 $0x0;
	_ =	swait.ge [sflag:s7], $0x2800  }
0xf0: {  	v1 =	vmov s13;
	[sflag:s7] =	ssyncset.done $0x0;
	s1 =	sshrl.u32 s1, $0x2  }
0xf1: {  	[sflag:s7] =	ssyncadd.s32 $0xFFFFD800;
	s7 =	sadd.s32 $0x15578, s1  }
0xf2: {  	s17 =	sshll.u32 s15, $0x7;
	v5 =	vld [tilespmem:s7+$0x30]  }
0xf3: {  	s13 =	sand.u32 $0x180, s17;
	v8 =	vld [tilespmem:s7+$0x10]  }
0xf4: {  	s14 =	sadd.s32 $0x15138, s13;
	v6 =	vld [tilespmem:s7+$0xFFFFFFC0]  }
0xf5: {  	v2 =	vld.idx.msk [tilespmem:v1+s14+$0x0], $0xffff  }
0xf6: {  	v10 =	vld [tilespmem:s7+$0xFFFFFFE0]  }
0xf7: {  	v1 =	vld [tilespmem:s7+$0xFFFFFFF0]  }
0xf8: {  	v3 =	vld [tilespmem:s7+$0x20]  }
0xf9: {  	v4 =	vld [tilespmem:s7+$0xFFFFFFD0]  }
0xfa: {  	v9 =	vmul.f32 v5, v2;
	v5 =	vld [tilespmem:s7+$0x0]  }
0xfb: {  	v7 =	vmul.f32 v6, v2  }
0xfc: {  	s29 =	sadd.s32 $0x15538, s1;
	s1 =	simm.s32 $0x1;
	s17 =	smov.u32 s7;
	v6 =	vmul.f32 v10, v2;
	v8 =	vmul.f32 v8, v2  }
.LBB2_12:
0xfd: {  	p1 =	sne.s32 s1, $0x4F  }
0xfe: {  	v4 =	vmul.f32 v4, v2;
	v3 =	vmul.f32 v3, v2;
	[tilespmem:s7+$0x30] =	vst v9;
	s17 =	sadd.s32 $0x80, s17;
	s13 =	smov.u32 s1;
	s1 =	sadd.s32 $0x1, s1  }
0xff: {  	[tilespmem:s7+$0xFFFFFFC0] =	vst v7;
	v7 =	vmul.f32 v1, v2;
	v2 =	vmul.f32 v5, v2  }
0x100: {  	[tilespmem:s7+$0x10] =	vst v8  }
0x101: {  	v5 =	vmov s13;
	[tilespmem:s7+$0xFFFFFFE0] =	vst v6  }
0x102: {  	v1 =	vld [tilespmem:s17+$0xFFFFFFF0];
	[tilespmem:s7+$0xFFFFFFF0] =	vst v7  }
0x103: {  	v6 =	vld [tilespmem:s17+$0x30];
	[tilespmem:s7+$0x0] =	vst v2  }
0x104: {  	v8 =	vld [tilespmem:s17+$0x10];
	[tilespmem:s7+$0x20] =	vst v3  }
0x105: {  	v7 =	vld [tilespmem:s17+$0xFFFFFFC0];
	[tilespmem:s7+$0xFFFFFFD0] =	vst v4;
	s7 =	smov.u32 s17  }
0x106: {  	v2 =	vld.idx.msk [tilespmem:v5+s14+$0x0], $0xffff  }
0x107: {  	v10 =	vld [tilespmem:s17+$0xFFFFFFE0]  }
0x108: {  	v3 =	vld [tilespmem:s17+$0x20]  }
.Ltmp7:
0x109: {  	v4 =	vld [tilespmem:s17+$0xFFFFFFD0];
	(pc) =	sbr.rel @p1 .LBB2_12-.Ltmp7, $3  }
0x10a: {  	v5 =	vld [tilespmem:s17+$0x0];
	_ =	sdelay $0x1  }
0x10b: {  	v7 =	vmul.f32 v7, v2;
	v9 =	vmul.f32 v6, v2  }
0x10c: {  	v8 =	vmul.f32 v8, v2;
	v6 =	vmul.f32 v10, v2  }
0x10d: {  	[tilespmem:s7+$0x30] =	vst v9  }
0x10e: {  	[tilespmem:s7+$0xFFFFFFC0] =	vst v7;
	s1 =	sshrl.u32 s28, $0xA  }
0x10f: {  	v1 =	vmul.f32 v1, v2;
	[tilespmem:s7+$0x10] =	vst v8;
	s1 =	smul.u32 $0x6, s1  }
0x110: {  	v3 =	vmul.f32 v3, v2;
	p1 =	slt.u32 s31, $0x7D;
	[tilespmem:s7+$0xFFFFFFE0] =	vst v6  }
.Ltmp8:
0x111: {  	v5 =	vmul.f32 v5, v2;
	[tilespmem:s7+$0xFFFFFFF0] =	vst v1;
	s1 =	ssub.s32 s15, s1;
	(pc) =	sbr.rel @p1 .LBB2_4-.Ltmp8, $4  }
.Ltmp9:
0x112: {  	v1 =	vmul.f32 v4, v2;
	[tilespmem:s7+$0x20] =	vst v3;
	s1 =	sand.u32 $0x67, s1;
	(pc) =	sbr.rel @!p1 .LBB2_14-.Ltmp9, $4  }
0x113: {  	s13 =	sand.u32 $0x1, s15;
	[tilespmem:s7+$0x0] =	vst v5;
	s1 =	sshll.u32 s1, $0x7  }
0x114: {  	s28 =	sadd.s32 $0x15, s13;
	s15 =	smov.u32 s31;
	[tilespmem:s7+$0xFFFFFFD0] =	vst v1;
	s1 =	sor.u32 $0x14C38, s1  }
0x115: {  	[spmem:s5] =	stream.indirect.scatter.add.f32 [tilespmem:s29], [sflag:s28], $0x80, s1, s30, $0xb8;
	[tilespmem:$0x1CD38] =	vst v63  }
0x116: {  	_ = 	snop  }
.LBB2_7:
.Ltmp10:
0x117: {  	(pc) =	sbr.rel .LBB2_11-.Ltmp10, $2  }
0x118: {  	_ =	sdelay $0x2  }
0x119: {  	s31 =	simm.s32 $0x7D  }
.LBB2_15:
0x11a: {  	_ =	sfence.sel $0x180000  }
0x11b: {  	[bflag:$0x0] =	sbarrier.arrive $0xFFFF  }
0x11c: {  	_ =	strace $0x90000047  }
0x11d: {  	[bflag:$0x2] =	sbarrier.arrive $0xFFFF  }
0x11e: {  	s0 =	rddreg [dreg:$0x8]  }
0x11f: {  	s0 =	sadd.s32 @!p0 $0x100000, s0  }
0x120: {  	[sflag:s0] =	ssyncadd.tile.s32 @!p0 $0x1;
	_ =	shalt  }
.Lfunc_end2:
_tile_overlayer_lowered:
.L_overlay_start_2:
0x121: {  	(tag) =	ssettag $0x2  }
0x122: {  	s0 =	rddreg [dreg:$0x0];
	s2 =	stileid.u32  }
0x123: {  	s1 =	rddreg [dreg:$0x1];
	p0 =	sne.s32 s2, $0x0  }
0x124: {  	s3 =	rddreg [dreg:$0x2];
	[bflag:$0x3] =	sbarrier.arrive $0xFFFF;
	s2 =	simm.s32 @!p0 $0x1C17  }
0x125: {  	[timem:s3], [sflag:s2] =	dma.local @!p0 [hbm:s0], s1  }
0x126: {  	s0 =	simm.s32 @!p0 $0x17  }
0x127: {  	_ =	swait.ge @!p0 [sflag:s0], s1  }
0x128: {  	s1 =	ssub.s32 @!p0 $0x0, s1;
	[sflag:s0] =	ssyncset.done @!p0 $0x0  }
0x129: {  	[sflag:s0] =	ssyncadd.s32 @!p0 s1  }
0x12a: {  	[bflag:$0x3] =	sbarrier.arrive $0xFFFF  }
0x12b: {  	_ =	shalt  }

</sc_bundles>
